<compile_context>
chip_gen: v7x
topology: tpu7x:2x2x1
jax: 0.10.2.dev20260603
libtpu: 0.0.44.dev20260713+nightly
codegen_flags: <defaults>
</compile_context>

<pallas_src>
import functools

import jax
import jax.numpy as jnp
from jax import lax
from jax.experimental import pallas as pl
from jax.experimental.pallas import tpu as pltpu
from jax.experimental.pallas import tpu_sc as plsc

_N = 16384
_H = 64
_D = 128
_F = 3

_NC = 2
_NS = 16
_NW = _NC * _NS
_BPW = _N // _NW
_CL = 128
_KCH = _BPW // _CL

_BT = 2048


def _sc_gather(act_table, res_table, aidx, ridx):
    mesh = plsc.VectorSubcoreMesh(core_axis_name="c", subcore_axis_name="s")

    @functools.partial(
        pl.kernel,
        mesh=mesh,
        out_type=[
            jax.ShapeDtypeStruct((_N, _H), jnp.float32),
            jax.ShapeDtypeStruct((_N, _H), jnp.float32),
        ],
        scratch_types=[
            pltpu.VMEM((_BPW,), jnp.int32),
            pltpu.VMEM((_BPW,), jnp.int32),
            pltpu.VMEM((2, _CL, _H), jnp.float32),
            pltpu.VMEM((2, _CL, _H), jnp.float32),
            pltpu.SemaphoreType.DMA,
            pltpu.SemaphoreType.DMA,
            pltpu.SemaphoreType.DMA,
            pltpu.SemaphoreType.DMA,
        ],
        compiler_params=pltpu.CompilerParams(use_tc_tiling_on_sc=False),
    )
    def gather_k(act_t, res_t, aidx_h, ridx_h, act_o, res_o,
                 aidx_v, ridx_v, abuf, rbuf, g0, g1, w0, w1):
        wid = lax.axis_index("s") * _NC + lax.axis_index("c")
        base = wid * _BPW
        pltpu.sync_copy(aidx_h.at[pl.ds(base, _BPW)], aidx_v)
        pltpu.sync_copy(ridx_h.at[pl.ds(base, _BPW)], ridx_v)
        gsem = [g0, g1]
        wsem = [w0, w1]

        def fire_gather(j):
            b = j % 2
            ix = pl.ds(j * _CL, _CL)
            return [
                pltpu.async_copy(act_t.at[aidx_v.at[ix]], abuf.at[b], gsem[b]),
                pltpu.async_copy(res_t.at[ridx_v.at[ix]], rbuf.at[b], gsem[b]),
            ]

        def fire_write(j):
            b = j % 2
            ox = pl.ds(base + j * _CL, _CL)
            return [
                pltpu.async_copy(abuf.at[b], act_o.at[ox], wsem[b]),
                pltpu.async_copy(rbuf.at[b], res_o.at[ox], wsem[b]),
            ]

        gd = {0: fire_gather(0)}
        wd = {}
        for j in range(_KCH):
            if j + 1 < _KCH:
                if j - 1 >= 0:
                    for c in wd[j - 1]:
                        c.wait()
                gd[j + 1] = fire_gather(j + 1)
            for c in gd[j]:
                c.wait()
            wd[j] = fire_write(j)
        for j in (_KCH - 2, _KCH - 1):
            for c in wd[j]:
                c.wait()

    return gather_k(act_table, res_table, aidx, ridx)


def _ln_rows(x, g, b, eps=1e-5):
    mu = jnp.mean(x, axis=-1, keepdims=True)
    var = jnp.mean((x - mu) ** 2, axis=-1, keepdims=True)
    return (x - mu) / jnp.sqrt(var + eps) * g + b


def _dense_body(a_ref, r_ref, nm_ref, ae_ref, re_ref,
                nlg_ref, nlb_ref, w1_ref, b1_ref, mlg_ref, mlb_ref,
                wg_ref, bg_ref, wb_ref, bb_ref, wp_ref, bp_ref,
                plg_ref, plb_ref, out_ref):
    f32 = jnp.float32
    is_pad = (a_ref[...] == 0) & (r_ref[...] == 0)
    cat = jnp.concatenate([ae_ref[...], re_ref[...]], axis=-1)
    nf = jnp.log1p(jnp.maximum(nm_ref[...], 0.0))
    nf = _ln_rows(nf, nlg_ref[...], nlb_ref[...])
    h = jnp.maximum(
        jnp.dot(nf, w1_ref[...], preferred_element_type=f32) + b1_ref[...], 0.0)
    num_emb = _ln_rows(h, mlg_ref[...], mlb_ref[...])
    gamma = jax.nn.sigmoid(
        jnp.dot(num_emb, wg_ref[...], preferred_element_type=f32) + bg_ref[...])
    beta = jnp.dot(num_emb, wb_ref[...], preferred_element_type=f32) + bb_ref[...]
    cat_mod = cat * gamma + beta
    cat_mod = jnp.where(is_pad, 0.0, cat_mod)
    num_emb = jnp.where(is_pad, 0.0, num_emb)
    pre = (jnp.dot(cat_mod, wp_ref[0:_D, :], preferred_element_type=f32)
           + jnp.dot(num_emb, wp_ref[_D:2 * _D, :], preferred_element_type=f32)
           + bp_ref[...])
    out_ref[...] = _ln_rows(jnp.maximum(pre, 0.0), plg_ref[...], plb_ref[...])


def _tc_dense(acts2, ress2, num_arr, act_emb, res_emb,
              num_ln_g, num_ln_b, W1, b1, mlp_ln_g, mlp_ln_b,
              Wg, bg, Wb, bb, Wp, bp, proj_ln_g, proj_ln_b):
    grid = (_N // _BT,)
    row = lambda i: (i, 0)
    full1 = lambda i: (0,)
    full2 = lambda i: (0, 0)
    in_specs = [
        pl.BlockSpec((_BT, 1), row),
        pl.BlockSpec((_BT, 1), row),
        pl.BlockSpec((_BT, _F), row),
        pl.BlockSpec((_BT, _H), row),
        pl.BlockSpec((_BT, _H), row),
        pl.BlockSpec((_F,), full1),
        pl.BlockSpec((_F,), full1),
        pl.BlockSpec((_F, _D), full2),
        pl.BlockSpec((_D,), full1),
        pl.BlockSpec((_D,), full1),
        pl.BlockSpec((_D,), full1),
        pl.BlockSpec((_D, _D), full2),
        pl.BlockSpec((_D,), full1),
        pl.BlockSpec((_D, _D), full2),
        pl.BlockSpec((_D,), full1),
        pl.BlockSpec((2 * _D, _D), full2),
        pl.BlockSpec((_D,), full1),
        pl.BlockSpec((_D,), full1),
        pl.BlockSpec((_D,), full1),
    ]
    return pl.pallas_call(
        _dense_body,
        grid=grid,
        in_specs=in_specs,
        out_specs=pl.BlockSpec((_BT, _D), row),
        out_shape=jax.ShapeDtypeStruct((_N, _D), jnp.float32),
        compiler_params=pltpu.CompilerParams(
            dimension_semantics=("parallel",)),
    )(acts2, ress2, num_arr, act_emb, res_emb,
      num_ln_g, num_ln_b, W1, b1, mlp_ln_g, mlp_ln_b,
      Wg, bg, Wb, bb, Wp, bp, proj_ln_g, proj_ln_b)


def kernel(activities, resources, num_arr, act_table, res_table,
           num_ln_g, num_ln_b, W1, b1, mlp_ln_g, mlp_ln_b,
           Wg, bg, Wb, bb, Wp, bp, proj_ln_g, proj_ln_b):
    acts = activities.astype(jnp.int32)
    ress = resources.astype(jnp.int32)
    act_emb, res_emb = _sc_gather(act_table, res_table, acts, ress)
    return _tc_dense(acts.reshape(_N, 1), ress.reshape(_N, 1), num_arr,
                     act_emb, res_emb,
                     num_ln_g, num_ln_b, W1, b1, mlp_ln_g, mlp_ln_b,
                     Wg, bg, Wb, bb, Wp, bp, proj_ln_g, proj_ln_b)

# --- scband reference (transcript-rebuilt; emitter-appended) ---
"""Pipeline reference for scband-event-embedder-17085379904187 (READ-ONLY COPY).

The authoritative reference and input builder live on the scoring server;
editing this copy changes nothing except your own understanding.
"""

import jax, jax.numpy as jnp
import numpy as np


def _ln(x, g, b, eps=1e-5):
    mu = jnp.mean(x, axis=-1, keepdims=True)
    var = jnp.mean((x - mu) ** 2, axis=-1, keepdims=True)
    return (x - mu) / jnp.sqrt(var + eps) * g + b


def setup_inputs(seed: int = 0) -> dict:
    key = jax.random.key(seed)
    ks = jax.random.split(key, 12)
    N = 16384
    V = 100000
    D = 128
    H = D // 2
    F = 3
    activities = jax.random.randint(ks[0], (N,), 0, V)
    resources = jax.random.randint(ks[1], (N,), 0, V)
    num_arr = jax.random.uniform(ks[2], (N, F), dtype=jnp.float32) * 10.0
    act_table = jax.random.normal(ks[3], (V, H), dtype=jnp.float32) * 0.02
    act_table = act_table.at[0].set(0.0)  # padding_idx=0
    res_table = jax.random.normal(ks[4], (V, H), dtype=jnp.float32) * 0.02
    res_table = res_table.at[0].set(0.0)  # padding_idx=0
    num_ln_g = jnp.ones((F,), dtype=jnp.float32)
    num_ln_b = jnp.zeros((F,), dtype=jnp.float32)
    W1 = jax.random.normal(ks[5], (F, D), dtype=jnp.float32) * 0.1
    b1 = jnp.zeros((D,), dtype=jnp.float32)
    mlp_ln_g = jnp.ones((D,), dtype=jnp.float32)
    mlp_ln_b = jnp.zeros((D,), dtype=jnp.float32)
    Wg = jax.random.normal(ks[6], (D, D), dtype=jnp.float32) * 0.05
    bg = jnp.zeros((D,), dtype=jnp.float32)
    Wb = jax.random.normal(ks[7], (D, D), dtype=jnp.float32) * 0.05
    bb = jnp.zeros((D,), dtype=jnp.float32)
    Wp = jax.random.normal(ks[8], (2 * D, D), dtype=jnp.float32) * 0.05
    bp = jnp.zeros((D,), dtype=jnp.float32)
    proj_ln_g = jnp.ones((D,), dtype=jnp.float32)
    proj_ln_b = jnp.zeros((D,), dtype=jnp.float32)
    return {
        "activities": activities,
        "resources": resources,
        "num_arr": num_arr,
        "act_table": act_table,
        "res_table": res_table,
        "num_ln_g": num_ln_g,
        "num_ln_b": num_ln_b,
        "W1": W1,
        "b1": b1,
        "mlp_ln_g": mlp_ln_g,
        "mlp_ln_b": mlp_ln_b,
        "Wg": Wg,
        "bg": bg,
        "Wb": Wb,
        "bb": bb,
        "Wp": Wp,
        "bp": bp,
        "proj_ln_g": proj_ln_g,
        "proj_ln_b": proj_ln_b,
    }


def reference(activities, resources, num_arr, act_table, res_table,
              num_ln_g, num_ln_b, W1, b1, mlp_ln_g, mlp_ln_b,
              Wg, bg, Wb, bb, Wp, bp, proj_ln_g, proj_ln_b):
    # categorical stream: two embedding gathers (SparseCore-friendly)
    act_emb = jnp.take(act_table, activities, axis=0)
    res_emb = jnp.take(res_table, resources, axis=0)
    cat_emb = jnp.concatenate([act_emb, res_emb], axis=-1)
    # numeric stream: log1p + LayerNorm + MLP
    nf = jnp.log1p(jnp.clip(num_arr, 0.0, None))
    nf = _ln(nf, num_ln_g, num_ln_b)
    num_emb = _ln(jax.nn.relu(nf @ W1 + b1), mlp_ln_g, mlp_ln_b)
    # FiLM modulation of categorical stream by numeric stream
    gamma = jax.nn.sigmoid(num_emb @ Wg + bg)
    beta = num_emb @ Wb + bb
    cat_mod = cat_emb * gamma + beta
    # pad masking
    is_pad = (activities == 0) & (resources == 0)
    cat_mod = jnp.where(is_pad[:, None], 0.0, cat_mod)
    num_emb = jnp.where(is_pad[:, None], 0.0, num_emb)
    combined = jnp.concatenate([cat_mod, num_emb], axis=-1)
    out = _ln(jax.nn.relu(combined @ Wp + bp), proj_ln_g, proj_ln_b)
    # dropout is identity in eval mode
    return out

if __name__ == "__main__":
    import jax
    _d = setup_inputs()
    print(jax.jit(kernel)(*tuple(_d.values())))

</pallas_src>

<mosaic_0001>
#map = affine_map<(d0, d1) -> (0, 0)>
#map1 = affine_map<(d0, d1) -> (0)>
module attributes {stable_mosaic.version = 14 : i64} {
  func.func @gather_k(%arg0: i32, %arg1: i32, %arg2: memref<100000x64xf32, #tpu.memory_space<hbm>>, %arg3: memref<100000x64xf32, #tpu.memory_space<hbm>>, %arg4: memref<16384xi32, #tpu.memory_space<hbm>>, %arg5: memref<16384xi32, #tpu.memory_space<hbm>>, %arg6: memref<16384x64xf32, #tpu.memory_space<hbm>>, %arg7: memref<16384x64xf32, #tpu.memory_space<hbm>>, %arg8: memref<512xi32, #tpu.memory_space<vmem>>, %arg9: memref<512xi32, #tpu.memory_space<vmem>>, %arg10: memref<2x128x64xf32, #tpu.memory_space<vmem>>, %arg11: memref<2x128x64xf32, #tpu.memory_space<vmem>>, %arg12: memref<!tpu.dma_semaphore, #tpu.memory_space<semaphore_mem>>, %arg13: memref<!tpu.dma_semaphore, #tpu.memory_space<semaphore_mem>>, %arg14: memref<!tpu.dma_semaphore, #tpu.memory_space<semaphore_mem>>, %arg15: memref<!tpu.dma_semaphore, #tpu.memory_space<semaphore_mem>>) attributes {dimension_semantics = [#tpu.dimension_semantics<core_parallel>, #tpu.dimension_semantics<subcore_parallel>], iteration_bounds = array<i64: 2, 16>, scalar_prefetch = 0 : i64, scratch_operands = 8 : i64, tpu.core_type = #tpu.core_type<sc_vector_subcore>, window_params = [{transform_indices = #map}, {transform_indices = #map}, {transform_indices = #map1}, {transform_indices = #map1}, {transform_indices = #map}, {transform_indices = #map}]} {
    %mul3A = arith.constant 2 : i32
    %mul3A_0 = arith.muli %arg1, %mul3A : i32
    %add3A = arith.addi %mul3A_0, %arg0 : i32
    %mul3A_1 = arith.constant 512 : i32
    %mul3A_2 = arith.muli %add3A, %mul3A_1 : i32
    "tpu.region"() ({
      %run_scoped3A = tpu.sem_alloc : memref<!tpu.dma_semaphore, #tpu.memory_space<semaphore_mem>>
      %dma_start3A_377 = tpu.memref_slice %arg4[%mul3A_2] : memref<16384xi32, #tpu.memory_space<hbm>> -> memref<512xi32, #tpu.memory_space<hbm>>
      %dma_start3A_378 = tpu.memref_slice %arg4[%mul3A_2] : memref<16384xi32, #tpu.memory_space<hbm>> -> memref<512xi32, #tpu.memory_space<hbm>>
      tpu.enqueue_dma source(%dma_start3A_378 : memref<512xi32, #tpu.memory_space<hbm>>) target(%arg8 : memref<512xi32, #tpu.memory_space<vmem>>) target_semaphore(%run_scoped3A : memref<!tpu.dma_semaphore, #tpu.memory_space<semaphore_mem>>)
      %dma_wait3A_379 = tpu.memref_slice %arg4[%mul3A_2] : memref<16384xi32, #tpu.memory_space<hbm>> -> memref<512xi32, #tpu.memory_space<hbm>>
      %dma_wait3A_380 = tpu.memref_slice %arg4[%mul3A_2] : memref<16384xi32, #tpu.memory_space<hbm>> -> memref<512xi32, #tpu.memory_space<hbm>>
      tpu.wait_dma2 semaphore(%run_scoped3A : memref<!tpu.dma_semaphore, #tpu.memory_space<semaphore_mem>>) src(%dma_wait3A_380 : memref<512xi32, #tpu.memory_space<hbm>>) dst(%arg8 : memref<512xi32, #tpu.memory_space<vmem>>)
      tpu.yield
    }) : () -> ()
    "tpu.region"() ({
      %run_scoped3A = tpu.sem_alloc : memref<!tpu.dma_semaphore, #tpu.memory_space<semaphore_mem>>
      %dma_start3A_377 = tpu.memref_slice %arg5[%mul3A_2] : memref<16384xi32, #tpu.memory_space<hbm>> -> memref<512xi32, #tpu.memory_space<hbm>>
      %dma_start3A_378 = tpu.memref_slice %arg5[%mul3A_2] : memref<16384xi32, #tpu.memory_space<hbm>> -> memref<512xi32, #tpu.memory_space<hbm>>
      tpu.enqueue_dma source(%dma_start3A_378 : memref<512xi32, #tpu.memory_space<hbm>>) target(%arg9 : memref<512xi32, #tpu.memory_space<vmem>>) target_semaphore(%run_scoped3A : memref<!tpu.dma_semaphore, #tpu.memory_space<semaphore_mem>>)
      %dma_wait3A_379 = tpu.memref_slice %arg5[%mul3A_2] : memref<16384xi32, #tpu.memory_space<hbm>> -> memref<512xi32, #tpu.memory_space<hbm>>
      %dma_wait3A_380 = tpu.memref_slice %arg5[%mul3A_2] : memref<16384xi32, #tpu.memory_space<hbm>> -> memref<512xi32, #tpu.memory_space<hbm>>
      tpu.wait_dma2 semaphore(%run_scoped3A : memref<!tpu.dma_semaphore, #tpu.memory_space<semaphore_mem>>) src(%dma_wait3A_380 : memref<512xi32, #tpu.memory_space<hbm>>) dst(%arg9 : memref<512xi32, #tpu.memory_space<vmem>>)
      tpu.yield
    }) : () -> ()
    %dma_start3A = arith.constant 0 : i32
    %dma_start3A_3 = arith.constant 0 : i32
    %dma_start3A_4 = arith.constant 0 : i32
    %dma_start3A_5 = tpu.memref_slice %arg10[%dma_start3A, %dma_start3A_3, %dma_start3A_4] : memref<2x128x64xf32, #tpu.memory_space<vmem>> -> memref<1x128x64xf32, #tpu.memory_space<vmem>>
    %dma_start3A_6 = tpu.memref_squeeze %dma_start3A_5 : memref<1x128x64xf32, #tpu.memory_space<vmem>> -> memref<128x64xf32, #tpu.memory_space<vmem>>
    %dma_start3A_7 = arith.constant 0 : i32
    %dma_start3A_8 = tpu.memref_slice %arg8[%dma_start3A_7] : memref<512xi32, #tpu.memory_space<vmem>> -> memref<128xi32, #tpu.memory_space<vmem>>
    %dma_start3A_9 = arith.constant 0 : i32
    %dma_start3A_10 = arith.constant 0 : i32
    %dma_start3A_11 = tpu.memref_slice %arg2[%dma_start3A_9, %dma_start3A_10] : memref<100000x64xf32, #tpu.memory_space<hbm>> -> memref<100000x64xf32, #tpu.memory_space<hbm>>
    tpu.enqueue_indirect_dma source(%dma_start3A_11 : memref<100000x64xf32, #tpu.memory_space<hbm>>) target(%dma_start3A_6 : memref<128x64xf32, #tpu.memory_space<vmem>>) offsets(%dma_start3A_8 : memref<128xi32, #tpu.memory_space<vmem>>) semaphore(%arg12 : memref<!tpu.dma_semaphore, #tpu.memory_space<semaphore_mem>>)
    %dma_start3A_12 = arith.constant 0 : i32
    %dma_start3A_13 = arith.constant 0 : i32
    %dma_start3A_14 = arith.constant 0 : i32
    %dma_start3A_15 = tpu.memref_slice %arg11[%dma_start3A_12, %dma_start3A_13, %dma_start3A_14] : memref<2x128x64xf32, #tpu.memory_space<vmem>> -> memref<1x128x64xf32, #tpu.memory_space<vmem>>
    %dma_start3A_16 = tpu.memref_squeeze %dma_start3A_15 : memref<1x128x64xf32, #tpu.memory_space<vmem>> -> memref<128x64xf32, #tpu.memory_space<vmem>>
    %dma_start3A_17 = arith.constant 0 : i32
    %dma_start3A_18 = tpu.memref_slice %arg9[%dma_start3A_17] : memref<512xi32, #tpu.memory_space<vmem>> -> memref<128xi32, #tpu.memory_space<vmem>>
    %dma_start3A_19 = arith.constant 0 : i32
    %dma_start3A_20 = arith.constant 0 : i32
    %dma_start3A_21 = tpu.memref_slice %arg3[%dma_start3A_19, %dma_start3A_20] : memref<100000x64xf32, #tpu.memory_space<hbm>> -> memref<100000x64xf32, #tpu.memory_space<hbm>>
    tpu.enqueue_indirect_dma source(%dma_start3A_21 : memref<100000x64xf32, #tpu.memory_space<hbm>>) target(%dma_start3A_16 : memref<128x64xf32, #tpu.memory_space<vmem>>) offsets(%dma_start3A_18 : memref<128xi32, #tpu.memory_space<vmem>>) semaphore(%arg12 : memref<!tpu.dma_semaphore, #tpu.memory_space<semaphore_mem>>)
    %dma_start3A_22 = arith.constant 1 : i32
    %dma_start3A_23 = arith.constant 0 : i32
    %dma_start3A_24 = arith.constant 0 : i32
    %dma_start3A_25 = tpu.memref_slice %arg10[%dma_start3A_22, %dma_start3A_23, %dma_start3A_24] : memref<2x128x64xf32, #tpu.memory_space<vmem>> -> memref<1x128x64xf32, #tpu.memory_space<vmem>>
    %dma_start3A_26 = tpu.memref_squeeze %dma_start3A_25 : memref<1x128x64xf32, #tpu.memory_space<vmem>> -> memref<128x64xf32, #tpu.memory_space<vmem>>
    %dma_start3A_27 = arith.constant 128 : i32
    %dma_start3A_28 = tpu.memref_slice %arg8[%dma_start3A_27] : memref<512xi32, #tpu.memory_space<vmem>> -> memref<128xi32, #tpu.memory_space<vmem>>
    %dma_start3A_29 = arith.constant 0 : i32
    %dma_start3A_30 = arith.constant 0 : i32
    %dma_start3A_31 = tpu.memref_slice %arg2[%dma_start3A_29, %dma_start3A_30] : memref<100000x64xf32, #tpu.memory_space<hbm>> -> memref<100000x64xf32, #tpu.memory_space<hbm>>
    tpu.enqueue_indirect_dma source(%dma_start3A_31 : memref<100000x64xf32, #tpu.memory_space<hbm>>) target(%dma_start3A_26 : memref<128x64xf32, #tpu.memory_space<vmem>>) offsets(%dma_start3A_28 : memref<128xi32, #tpu.memory_space<vmem>>) semaphore(%arg13 : memref<!tpu.dma_semaphore, #tpu.memory_space<semaphore_mem>>)
    %dma_start3A_32 = arith.constant 1 : i32
    %dma_start3A_33 = arith.constant 0 : i32
    %dma_start3A_34 = arith.constant 0 : i32
    %dma_start3A_35 = tpu.memref_slice %arg11[%dma_start3A_32, %dma_start3A_33, %dma_start3A_34] : memref<2x128x64xf32, #tpu.memory_space<vmem>> -> memref<1x128x64xf32, #tpu.memory_space<vmem>>
    %dma_start3A_36 = tpu.memref_squeeze %dma_start3A_35 : memref<1x128x64xf32, #tpu.memory_space<vmem>> -> memref<128x64xf32, #tpu.memory_space<vmem>>
    %dma_start3A_37 = arith.constant 128 : i32
    %dma_start3A_38 = tpu.memref_slice %arg9[%dma_start3A_37] : memref<512xi32, #tpu.memory_space<vmem>> -> memref<128xi32, #tpu.memory_space<vmem>>
    %dma_start3A_39 = arith.constant 0 : i32
    %dma_start3A_40 = arith.constant 0 : i32
    %dma_start3A_41 = tpu.memref_slice %arg3[%dma_start3A_39, %dma_start3A_40] : memref<100000x64xf32, #tpu.memory_space<hbm>> -> memref<100000x64xf32, #tpu.memory_space<hbm>>
    tpu.enqueue_indirect_dma source(%dma_start3A_41 : memref<100000x64xf32, #tpu.memory_space<hbm>>) target(%dma_start3A_36 : memref<128x64xf32, #tpu.memory_space<vmem>>) offsets(%dma_start3A_38 : memref<128xi32, #tpu.memory_space<vmem>>) semaphore(%arg13 : memref<!tpu.dma_semaphore, #tpu.memory_space<semaphore_mem>>)
    %dma_wait3A = arith.constant 0 : i32
    %dma_wait3A_42 = arith.constant 0 : i32
    %dma_wait3A_43 = arith.constant 0 : i32
    %dma_wait3A_44 = tpu.memref_slice %arg10[%dma_wait3A, %dma_wait3A_42, %dma_wait3A_43] : memref<2x128x64xf32, #tpu.memory_space<vmem>> -> memref<1x128x64xf32, #tpu.memory_space<vmem>>
    %dma_wait3A_45 = tpu.memref_squeeze %dma_wait3A_44 : memref<1x128x64xf32, #tpu.memory_space<vmem>> -> memref<128x64xf32, #tpu.memory_space<vmem>>
    %dma_wait3A_46 = arith.constant 0 : i32
    %dma_wait3A_47 = tpu.memref_slice %arg8[%dma_wait3A_46] : memref<512xi32, #tpu.memory_space<vmem>> -> memref<128xi32, #tpu.memory_space<vmem>>
    %dma_wait3A_48 = arith.constant 0 : i32
    %dma_wait3A_49 = arith.constant 0 : i32
    %dma_wait3A_50 = tpu.memref_slice %arg2[%dma_wait3A_48, %dma_wait3A_49] : memref<100000x64xf32, #tpu.memory_space<hbm>> -> memref<100000x64xf32, #tpu.memory_space<hbm>>
    tpu.wait_indirect_dma semaphore(%arg12 : memref<!tpu.dma_semaphore, #tpu.memory_space<semaphore_mem>>) src(%dma_wait3A_50 : memref<100000x64xf32, #tpu.memory_space<hbm>>) dst(%dma_wait3A_45 : memref<128x64xf32, #tpu.memory_space<vmem>>)
    %dma_wait3A_51 = arith.constant 0 : i32
    %dma_wait3A_52 = arith.constant 0 : i32
    %dma_wait3A_53 = arith.constant 0 : i32
    %dma_wait3A_54 = tpu.memref_slice %arg11[%dma_wait3A_51, %dma_wait3A_52, %dma_wait3A_53] : memref<2x128x64xf32, #tpu.memory_space<vmem>> -> memref<1x128x64xf32, #tpu.memory_space<vmem>>
    %dma_wait3A_55 = tpu.memref_squeeze %dma_wait3A_54 : memref<1x128x64xf32, #tpu.memory_space<vmem>> -> memref<128x64xf32, #tpu.memory_space<vmem>>
    %dma_wait3A_56 = arith.constant 0 : i32
    %dma_wait3A_57 = tpu.memref_slice %arg9[%dma_wait3A_56] : memref<512xi32, #tpu.memory_space<vmem>> -> memref<128xi32, #tpu.memory_space<vmem>>
    %dma_wait3A_58 = arith.constant 0 : i32
    %dma_wait3A_59 = arith.constant 0 : i32
    %dma_wait3A_60 = tpu.memref_slice %arg3[%dma_wait3A_58, %dma_wait3A_59] : memref<100000x64xf32, #tpu.memory_space<hbm>> -> memref<100000x64xf32, #tpu.memory_space<hbm>>
    tpu.wait_indirect_dma semaphore(%arg12 : memref<!tpu.dma_semaphore, #tpu.memory_space<semaphore_mem>>) src(%dma_wait3A_60 : memref<100000x64xf32, #tpu.memory_space<hbm>>) dst(%dma_wait3A_55 : memref<128x64xf32, #tpu.memory_space<vmem>>)
    %add3A_61 = arith.constant 0 : i32
    %add3A_62 = arith.addi %mul3A_2, %add3A_61 : i32
    %dma_start3A_63 = arith.constant 0 : i32
    %dma_start3A_64 = arith.constant 0 : i32
    %dma_start3A_65 = arith.constant 0 : i32
    %dma_start3A_66 = tpu.memref_slice %arg10[%dma_start3A_63, %dma_start3A_64, %dma_start3A_65] : memref<2x128x64xf32, #tpu.memory_space<vmem>> -> memref<1x128x64xf32, #tpu.memory_space<vmem>>
    %dma_start3A_67 = tpu.memref_squeeze %dma_start3A_66 : memref<1x128x64xf32, #tpu.memory_space<vmem>> -> memref<128x64xf32, #tpu.memory_space<vmem>>
    %dma_start3A_68 = arith.constant 0 : i32
    %dma_start3A_69 = tpu.memref_slice %arg6[%add3A_62, %dma_start3A_68] : memref<16384x64xf32, #tpu.memory_space<hbm>> -> memref<128x64xf32, #tpu.memory_space<hbm>>
    %dma_start3A_70 = arith.constant 0 : i32
    %dma_start3A_71 = tpu.memref_slice %arg6[%add3A_62, %dma_start3A_70] : memref<16384x64xf32, #tpu.memory_space<hbm>> -> memref<128x64xf32, #tpu.memory_space<hbm>>
    %dma_start3A_72 = arith.constant 0 : i32
    %dma_start3A_73 = arith.constant 0 : i32
    %dma_start3A_74 = tpu.memref_slice %arg10[%dma_start3A_63, %dma_start3A_72, %dma_start3A_73] : memref<2x128x64xf32, #tpu.memory_space<vmem>> -> memref<1x128x64xf32, #tpu.memory_space<vmem>>
    %dma_start3A_75 = tpu.memref_squeeze %dma_start3A_74 : memref<1x128x64xf32, #tpu.memory_space<vmem>> -> memref<128x64xf32, #tpu.memory_space<vmem>>
    tpu.enqueue_dma source(%dma_start3A_75 : memref<128x64xf32, #tpu.memory_space<vmem>>) target(%dma_start3A_71 : memref<128x64xf32, #tpu.memory_space<hbm>>) target_semaphore(%arg14 : memref<!tpu.dma_semaphore, #tpu.memory_space<semaphore_mem>>)
    %dma_start3A_76 = arith.constant 0 : i32
    %dma_start3A_77 = arith.constant 0 : i32
    %dma_start3A_78 = arith.constant 0 : i32
    %dma_start3A_79 = tpu.memref_slice %arg11[%dma_start3A_76, %dma_start3A_77, %dma_start3A_78] : memref<2x128x64xf32, #tpu.memory_space<vmem>> -> memref<1x128x64xf32, #tpu.memory_space<vmem>>
    %dma_start3A_80 = tpu.memref_squeeze %dma_start3A_79 : memref<1x128x64xf32, #tpu.memory_space<vmem>> -> memref<128x64xf32, #tpu.memory_space<vmem>>
    %dma_start3A_81 = arith.constant 0 : i32
    %dma_start3A_82 = tpu.memref_slice %arg7[%add3A_62, %dma_start3A_81] : memref<16384x64xf32, #tpu.memory_space<hbm>> -> memref<128x64xf32, #tpu.memory_space<hbm>>
    %dma_start3A_83 = arith.constant 0 : i32
    %dma_start3A_84 = tpu.memref_slice %arg7[%add3A_62, %dma_start3A_83] : memref<16384x64xf32, #tpu.memory_space<hbm>> -> memref<128x64xf32, #tpu.memory_space<hbm>>
    %dma_start3A_85 = arith.constant 0 : i32
    %dma_start3A_86 = arith.constant 0 : i32
    %dma_start3A_87 = tpu.memref_slice %arg11[%dma_start3A_76, %dma_start3A_85, %dma_start3A_86] : memref<2x128x64xf32, #tpu.memory_space<vmem>> -> memref<1x128x64xf32, #tpu.memory_space<vmem>>
    %dma_start3A_88 = tpu.memref_squeeze %dma_start3A_87 : memref<1x128x64xf32, #tpu.memory_space<vmem>> -> memref<128x64xf32, #tpu.memory_space<vmem>>
    tpu.enqueue_dma source(%dma_start3A_88 : memref<128x64xf32, #tpu.memory_space<vmem>>) target(%dma_start3A_84 : memref<128x64xf32, #tpu.memory_space<hbm>>) target_semaphore(%arg14 : memref<!tpu.dma_semaphore, #tpu.memory_space<semaphore_mem>>)
    %dma_wait3A_89 = arith.constant 0 : i32
    %dma_wait3A_90 = arith.constant 0 : i32
    %dma_wait3A_91 = arith.constant 0 : i32
    %dma_wait3A_92 = tpu.memref_slice %arg10[%dma_wait3A_89, %dma_wait3A_90, %dma_wait3A_91] : memref<2x128x64xf32, #tpu.memory_space<vmem>> -> memref<1x128x64xf32, #tpu.memory_space<vmem>>
    %dma_wait3A_93 = tpu.memref_squeeze %dma_wait3A_92 : memref<1x128x64xf32, #tpu.memory_space<vmem>> -> memref<128x64xf32, #tpu.memory_space<vmem>>
    %dma_wait3A_94 = arith.constant 0 : i32
    %dma_wait3A_95 = tpu.memref_slice %arg6[%add3A_62, %dma_wait3A_94] : memref<16384x64xf32, #tpu.memory_space<hbm>> -> memref<128x64xf32, #tpu.memory_space<hbm>>
    %dma_wait3A_96 = arith.constant 0 : i32
    %dma_wait3A_97 = tpu.memref_slice %arg6[%add3A_62, %dma_wait3A_96] : memref<16384x64xf32, #tpu.memory_space<hbm>> -> memref<128x64xf32, #tpu.memory_space<hbm>>
    %dma_wait3A_98 = arith.constant 0 : i32
    %dma_wait3A_99 = arith.constant 0 : i32
    %dma_wait3A_100 = tpu.memref_slice %arg10[%dma_wait3A_89, %dma_wait3A_98, %dma_wait3A_99] : memref<2x128x64xf32, #tpu.memory_space<vmem>> -> memref<1x128x64xf32, #tpu.memory_space<vmem>>
    %dma_wait3A_101 = tpu.memref_squeeze %dma_wait3A_100 : memref<1x128x64xf32, #tpu.memory_space<vmem>> -> memref<128x64xf32, #tpu.memory_space<vmem>>
    tpu.wait_dma2 semaphore(%arg14 : memref<!tpu.dma_semaphore, #tpu.memory_space<semaphore_mem>>) src(%dma_wait3A_101 : memref<128x64xf32, #tpu.memory_space<vmem>>) dst(%dma_wait3A_97 : memref<128x64xf32, #tpu.memory_space<hbm>>)
    %dma_wait3A_102 = arith.constant 0 : i32
    %dma_wait3A_103 = arith.constant 0 : i32
    %dma_wait3A_104 = arith.constant 0 : i32
    %dma_wait3A_105 = tpu.memref_slice %arg11[%dma_wait3A_102, %dma_wait3A_103, %dma_wait3A_104] : memref<2x128x64xf32, #tpu.memory_space<vmem>> -> memref<1x128x64xf32, #tpu.memory_space<vmem>>
    %dma_wait3A_106 = tpu.memref_squeeze %dma_wait3A_105 : memref<1x128x64xf32, #tpu.memory_space<vmem>> -> memref<128x64xf32, #tpu.memory_space<vmem>>
    %dma_wait3A_107 = arith.constant 0 : i32
    %dma_wait3A_108 = tpu.memref_slice %arg7[%add3A_62, %dma_wait3A_107] : memref<16384x64xf32, #tpu.memory_space<hbm>> -> memref<128x64xf32, #tpu.memory_space<hbm>>
    %dma_wait3A_109 = arith.constant 0 : i32
    %dma_wait3A_110 = tpu.memref_slice %arg7[%add3A_62, %dma_wait3A_109] : memref<16384x64xf32, #tpu.memory_space<hbm>> -> memref<128x64xf32, #tpu.memory_space<hbm>>
    %dma_wait3A_111 = arith.constant 0 : i32
    %dma_wait3A_112 = arith.constant 0 : i32
    %dma_wait3A_113 = tpu.memref_slice %arg11[%dma_wait3A_102, %dma_wait3A_111, %dma_wait3A_112] : memref<2x128x64xf32, #tpu.memory_space<vmem>> -> memref<1x128x64xf32, #tpu.memory_space<vmem>>
    %dma_wait3A_114 = tpu.memref_squeeze %dma_wait3A_113 : memref<1x128x64xf32, #tpu.memory_space<vmem>> -> memref<128x64xf32, #tpu.memory_space<vmem>>
    tpu.wait_dma2 semaphore(%arg14 : memref<!tpu.dma_semaphore, #tpu.memory_space<semaphore_mem>>) src(%dma_wait3A_114 : memref<128x64xf32, #tpu.memory_space<vmem>>) dst(%dma_wait3A_110 : memref<128x64xf32, #tpu.memory_space<hbm>>)
    %dma_start3A_115 = arith.constant 0 : i32
    %dma_start3A_116 = arith.constant 0 : i32
    %dma_start3A_117 = arith.constant 0 : i32
    %dma_start3A_118 = tpu.memref_slice %arg10[%dma_start3A_115, %dma_start3A_116, %dma_start3A_117] : memref<2x128x64xf32, #tpu.memory_space<vmem>> -> memref<1x128x64xf32, #tpu.memory_space<vmem>>
    %dma_start3A_119 = tpu.memref_squeeze %dma_start3A_118 : memref<1x128x64xf32, #tpu.memory_space<vmem>> -> memref<128x64xf32, #tpu.memory_space<vmem>>
    %dma_start3A_120 = arith.constant 256 : i32
    %dma_start3A_121 = tpu.memref_slice %arg8[%dma_start3A_120] : memref<512xi32, #tpu.memory_space<vmem>> -> memref<128xi32, #tpu.memory_space<vmem>>
    %dma_start3A_122 = arith.constant 0 : i32
    %dma_start3A_123 = arith.constant 0 : i32
    %dma_start3A_124 = tpu.memref_slice %arg2[%dma_start3A_122, %dma_start3A_123] : memref<100000x64xf32, #tpu.memory_space<hbm>> -> memref<100000x64xf32, #tpu.memory_space<hbm>>
    tpu.enqueue_indirect_dma source(%dma_start3A_124 : memref<100000x64xf32, #tpu.memory_space<hbm>>) target(%dma_start3A_119 : memref<128x64xf32, #tpu.memory_space<vmem>>) offsets(%dma_start3A_121 : memref<128xi32, #tpu.memory_space<vmem>>) semaphore(%arg12 : memref<!tpu.dma_semaphore, #tpu.memory_space<semaphore_mem>>)
    %dma_start3A_125 = arith.constant 0 : i32
    %dma_start3A_126 = arith.constant 0 : i32
    %dma_start3A_127 = arith.constant 0 : i32
    %dma_start3A_128 = tpu.memref_slice %arg11[%dma_start3A_125, %dma_start3A_126, %dma_start3A_127] : memref<2x128x64xf32, #tpu.memory_space<vmem>> -> memref<1x128x64xf32, #tpu.memory_space<vmem>>
    %dma_start3A_129 = tpu.memref_squeeze %dma_start3A_128 : memref<1x128x64xf32, #tpu.memory_space<vmem>> -> memref<128x64xf32, #tpu.memory_space<vmem>>
    %dma_start3A_130 = arith.constant 256 : i32
    %dma_start3A_131 = tpu.memref_slice %arg9[%dma_start3A_130] : memref<512xi32, #tpu.memory_space<vmem>> -> memref<128xi32, #tpu.memory_space<vmem>>
    %dma_start3A_132 = arith.constant 0 : i32
    %dma_start3A_133 = arith.constant 0 : i32
    %dma_start3A_134 = tpu.memref_slice %arg3[%dma_start3A_132, %dma_start3A_133] : memref<100000x64xf32, #tpu.memory_space<hbm>> -> memref<100000x64xf32, #tpu.memory_space<hbm>>
    tpu.enqueue_indirect_dma source(%dma_start3A_134 : memref<100000x64xf32, #tpu.memory_space<hbm>>) target(%dma_start3A_129 : memref<128x64xf32, #tpu.memory_space<vmem>>) offsets(%dma_start3A_131 : memref<128xi32, #tpu.memory_space<vmem>>) semaphore(%arg12 : memref<!tpu.dma_semaphore, #tpu.memory_space<semaphore_mem>>)
    %dma_wait3A_135 = arith.constant 1 : i32
    %dma_wait3A_136 = arith.constant 0 : i32
    %dma_wait3A_137 = arith.constant 0 : i32
    %dma_wait3A_138 = tpu.memref_slice %arg10[%dma_wait3A_135, %dma_wait3A_136, %dma_wait3A_137] : memref<2x128x64xf32, #tpu.memory_space<vmem>> -> memref<1x128x64xf32, #tpu.memory_space<vmem>>
    %dma_wait3A_139 = tpu.memref_squeeze %dma_wait3A_138 : memref<1x128x64xf32, #tpu.memory_space<vmem>> -> memref<128x64xf32, #tpu.memory_space<vmem>>
    %dma_wait3A_140 = arith.constant 128 : i32
    %dma_wait3A_141 = tpu.memref_slice %arg8[%dma_wait3A_140] : memref<512xi32, #tpu.memory_space<vmem>> -> memref<128xi32, #tpu.memory_space<vmem>>
    %dma_wait3A_142 = arith.constant 0 : i32
    %dma_wait3A_143 = arith.constant 0 : i32
    %dma_wait3A_144 = tpu.memref_slice %arg2[%dma_wait3A_142, %dma_wait3A_143] : memref<100000x64xf32, #tpu.memory_space<hbm>> -> memref<100000x64xf32, #tpu.memory_space<hbm>>
    tpu.wait_indirect_dma semaphore(%arg13 : memref<!tpu.dma_semaphore, #tpu.memory_space<semaphore_mem>>) src(%dma_wait3A_144 : memref<100000x64xf32, #tpu.memory_space<hbm>>) dst(%dma_wait3A_139 : memref<128x64xf32, #tpu.memory_space<vmem>>)
    %dma_wait3A_145 = arith.constant 1 : i32
    %dma_wait3A_146 = arith.constant 0 : i32
    %dma_wait3A_147 = arith.constant 0 : i32
    %dma_wait3A_148 = tpu.memref_slice %arg11[%dma_wait3A_145, %dma_wait3A_146, %dma_wait3A_147] : memref<2x128x64xf32, #tpu.memory_space<vmem>> -> memref<1x128x64xf32, #tpu.memory_space<vmem>>
    %dma_wait3A_149 = tpu.memref_squeeze %dma_wait3A_148 : memref<1x128x64xf32, #tpu.memory_space<vmem>> -> memref<128x64xf32, #tpu.memory_space<vmem>>
    %dma_wait3A_150 = arith.constant 128 : i32
    %dma_wait3A_151 = tpu.memref_slice %arg9[%dma_wait3A_150] : memref<512xi32, #tpu.memory_space<vmem>> -> memref<128xi32, #tpu.memory_space<vmem>>
    %dma_wait3A_152 = arith.constant 0 : i32
    %dma_wait3A_153 = arith.constant 0 : i32
    %dma_wait3A_154 = tpu.memref_slice %arg3[%dma_wait3A_152, %dma_wait3A_153] : memref<100000x64xf32, #tpu.memory_space<hbm>> -> memref<100000x64xf32, #tpu.memory_space<hbm>>
    tpu.wait_indirect_dma semaphore(%arg13 : memref<!tpu.dma_semaphore, #tpu.memory_space<semaphore_mem>>) src(%dma_wait3A_154 : memref<100000x64xf32, #tpu.memory_space<hbm>>) dst(%dma_wait3A_149 : memref<128x64xf32, #tpu.memory_space<vmem>>)
    %add3A_155 = arith.constant 128 : i32
    %add3A_156 = arith.addi %mul3A_2, %add3A_155 : i32
    %dma_start3A_157 = arith.constant 1 : i32
    %dma_start3A_158 = arith.constant 0 : i32
    %dma_start3A_159 = arith.constant 0 : i32
    %dma_start3A_160 = tpu.memref_slice %arg10[%dma_start3A_157, %dma_start3A_158, %dma_start3A_159] : memref<2x128x64xf32, #tpu.memory_space<vmem>> -> memref<1x128x64xf32, #tpu.memory_space<vmem>>
    %dma_start3A_161 = tpu.memref_squeeze %dma_start3A_160 : memref<1x128x64xf32, #tpu.memory_space<vmem>> -> memref<128x64xf32, #tpu.memory_space<vmem>>
    %dma_start3A_162 = arith.constant 0 : i32
    %dma_start3A_163 = tpu.memref_slice %arg6[%add3A_156, %dma_start3A_162] : memref<16384x64xf32, #tpu.memory_space<hbm>> -> memref<128x64xf32, #tpu.memory_space<hbm>>
    %dma_start3A_164 = arith.constant 0 : i32
    %dma_start3A_165 = tpu.memref_slice %arg6[%add3A_156, %dma_start3A_164] : memref<16384x64xf32, #tpu.memory_space<hbm>> -> memref<128x64xf32, #tpu.memory_space<hbm>>
    %dma_start3A_166 = arith.constant 0 : i32
    %dma_start3A_167 = arith.constant 0 : i32
    %dma_start3A_168 = tpu.memref_slice %arg10[%dma_start3A_157, %dma_start3A_166, %dma_start3A_167] : memref<2x128x64xf32, #tpu.memory_space<vmem>> -> memref<1x128x64xf32, #tpu.memory_space<vmem>>
    %dma_start3A_169 = tpu.memref_squeeze %dma_start3A_168 : memref<1x128x64xf32, #tpu.memory_space<vmem>> -> memref<128x64xf32, #tpu.memory_space<vmem>>
    tpu.enqueue_dma source(%dma_start3A_169 : memref<128x64xf32, #tpu.memory_space<vmem>>) target(%dma_start3A_165 : memref<128x64xf32, #tpu.memory_space<hbm>>) target_semaphore(%arg15 : memref<!tpu.dma_semaphore, #tpu.memory_space<semaphore_mem>>)
    %dma_start3A_170 = arith.constant 1 : i32
    %dma_start3A_171 = arith.constant 0 : i32
    %dma_start3A_172 = arith.constant 0 : i32
    %dma_start3A_173 = tpu.memref_slice %arg11[%dma_start3A_170, %dma_start3A_171, %dma_start3A_172] : memref<2x128x64xf32, #tpu.memory_space<vmem>> -> memref<1x128x64xf32, #tpu.memory_space<vmem>>
    %dma_start3A_174 = tpu.memref_squeeze %dma_start3A_173 : memref<1x128x64xf32, #tpu.memory_space<vmem>> -> memref<128x64xf32, #tpu.memory_space<vmem>>
    %dma_start3A_175 = arith.constant 0 : i32
    %dma_start3A_176 = tpu.memref_slice %arg7[%add3A_156, %dma_start3A_175] : memref<16384x64xf32, #tpu.memory_space<hbm>> -> memref<128x64xf32, #tpu.memory_space<hbm>>
    %dma_start3A_177 = arith.constant 0 : i32
    %dma_start3A_178 = tpu.memref_slice %arg7[%add3A_156, %dma_start3A_177] : memref<16384x64xf32, #tpu.memory_space<hbm>> -> memref<128x64xf32, #tpu.memory_space<hbm>>
    %dma_start3A_179 = arith.constant 0 : i32
    %dma_start3A_180 = arith.constant 0 : i32
    %dma_start3A_181 = tpu.memref_slice %arg11[%dma_start3A_170, %dma_start3A_179, %dma_start3A_180] : memref<2x128x64xf32, #tpu.memory_space<vmem>> -> memref<1x128x64xf32, #tpu.memory_space<vmem>>
    %dma_start3A_182 = tpu.memref_squeeze %dma_start3A_181 : memref<1x128x64xf32, #tpu.memory_space<vmem>> -> memref<128x64xf32, #tpu.memory_space<vmem>>
    tpu.enqueue_dma source(%dma_start3A_182 : memref<128x64xf32, #tpu.memory_space<vmem>>) target(%dma_start3A_178 : memref<128x64xf32, #tpu.memory_space<hbm>>) target_semaphore(%arg15 : memref<!tpu.dma_semaphore, #tpu.memory_space<semaphore_mem>>)
    %dma_wait3A_183 = arith.constant 1 : i32
    %dma_wait3A_184 = arith.constant 0 : i32
    %dma_wait3A_185 = arith.constant 0 : i32
    %dma_wait3A_186 = tpu.memref_slice %arg10[%dma_wait3A_183, %dma_wait3A_184, %dma_wait3A_185] : memref<2x128x64xf32, #tpu.memory_space<vmem>> -> memref<1x128x64xf32, #tpu.memory_space<vmem>>
    %dma_wait3A_187 = tpu.memref_squeeze %dma_wait3A_186 : memref<1x128x64xf32, #tpu.memory_space<vmem>> -> memref<128x64xf32, #tpu.memory_space<vmem>>
    %dma_wait3A_188 = arith.constant 0 : i32
    %dma_wait3A_189 = tpu.memref_slice %arg6[%add3A_156, %dma_wait3A_188] : memref<16384x64xf32, #tpu.memory_space<hbm>> -> memref<128x64xf32, #tpu.memory_space<hbm>>
    %dma_wait3A_190 = arith.constant 0 : i32
    %dma_wait3A_191 = tpu.memref_slice %arg6[%add3A_156, %dma_wait3A_190] : memref<16384x64xf32, #tpu.memory_space<hbm>> -> memref<128x64xf32, #tpu.memory_space<hbm>>
    %dma_wait3A_192 = arith.constant 0 : i32
    %dma_wait3A_193 = arith.constant 0 : i32
    %dma_wait3A_194 = tpu.memref_slice %arg10[%dma_wait3A_183, %dma_wait3A_192, %dma_wait3A_193] : memref<2x128x64xf32, #tpu.memory_space<vmem>> -> memref<1x128x64xf32, #tpu.memory_space<vmem>>
    %dma_wait3A_195 = tpu.memref_squeeze %dma_wait3A_194 : memref<1x128x64xf32, #tpu.memory_space<vmem>> -> memref<128x64xf32, #tpu.memory_space<vmem>>
    tpu.wait_dma2 semaphore(%arg15 : memref<!tpu.dma_semaphore, #tpu.memory_space<semaphore_mem>>) src(%dma_wait3A_195 : memref<128x64xf32, #tpu.memory_space<vmem>>) dst(%dma_wait3A_191 : memref<128x64xf32, #tpu.memory_space<hbm>>)
    %dma_wait3A_196 = arith.constant 1 : i32
    %dma_wait3A_197 = arith.constant 0 : i32
    %dma_wait3A_198 = arith.constant 0 : i32
    %dma_wait3A_199 = tpu.memref_slice %arg11[%dma_wait3A_196, %dma_wait3A_197, %dma_wait3A_198] : memref<2x128x64xf32, #tpu.memory_space<vmem>> -> memref<1x128x64xf32, #tpu.memory_space<vmem>>
    %dma_wait3A_200 = tpu.memref_squeeze %dma_wait3A_199 : memref<1x128x64xf32, #tpu.memory_space<vmem>> -> memref<128x64xf32, #tpu.memory_space<vmem>>
    %dma_wait3A_201 = arith.constant 0 : i32
    %dma_wait3A_202 = tpu.memref_slice %arg7[%add3A_156, %dma_wait3A_201] : memref<16384x64xf32, #tpu.memory_space<hbm>> -> memref<128x64xf32, #tpu.memory_space<hbm>>
    %dma_wait3A_203 = arith.constant 0 : i32
    %dma_wait3A_204 = tpu.memref_slice %arg7[%add3A_156, %dma_wait3A_203] : memref<16384x64xf32, #tpu.memory_space<hbm>> -> memref<128x64xf32, #tpu.memory_space<hbm>>
    %dma_wait3A_205 = arith.constant 0 : i32
    %dma_wait3A_206 = arith.constant 0 : i32
    %dma_wait3A_207 = tpu.memref_slice %arg11[%dma_wait3A_196, %dma_wait3A_205, %dma_wait3A_206] : memref<2x128x64xf32, #tpu.memory_space<vmem>> -> memref<1x128x64xf32, #tpu.memory_space<vmem>>
    %dma_wait3A_208 = tpu.memref_squeeze %dma_wait3A_207 : memref<1x128x64xf32, #tpu.memory_space<vmem>> -> memref<128x64xf32, #tpu.memory_space<vmem>>
    tpu.wait_dma2 semaphore(%arg15 : memref<!tpu.dma_semaphore, #tpu.memory_space<semaphore_mem>>) src(%dma_wait3A_208 : memref<128x64xf32, #tpu.memory_space<vmem>>) dst(%dma_wait3A_204 : memref<128x64xf32, #tpu.memory_space<hbm>>)
    %dma_start3A_209 = arith.constant 1 : i32
    %dma_start3A_210 = arith.constant 0 : i32
    %dma_start3A_211 = arith.constant 0 : i32
    %dma_start3A_212 = tpu.memref_slice %arg10[%dma_start3A_209, %dma_start3A_210, %dma_start3A_211] : memref<2x128x64xf32, #tpu.memory_space<vmem>> -> memref<1x128x64xf32, #tpu.memory_space<vmem>>
    %dma_start3A_213 = tpu.memref_squeeze %dma_start3A_212 : memref<1x128x64xf32, #tpu.memory_space<vmem>> -> memref<128x64xf32, #tpu.memory_space<vmem>>
    %dma_start3A_214 = arith.constant 384 : i32
    %dma_start3A_215 = tpu.memref_slice %arg8[%dma_start3A_214] : memref<512xi32, #tpu.memory_space<vmem>> -> memref<128xi32, #tpu.memory_space<vmem>>
    %dma_start3A_216 = arith.constant 0 : i32
    %dma_start3A_217 = arith.constant 0 : i32
    %dma_start3A_218 = tpu.memref_slice %arg2[%dma_start3A_216, %dma_start3A_217] : memref<100000x64xf32, #tpu.memory_space<hbm>> -> memref<100000x64xf32, #tpu.memory_space<hbm>>
    tpu.enqueue_indirect_dma source(%dma_start3A_218 : memref<100000x64xf32, #tpu.memory_space<hbm>>) target(%dma_start3A_213 : memref<128x64xf32, #tpu.memory_space<vmem>>) offsets(%dma_start3A_215 : memref<128xi32, #tpu.memory_space<vmem>>) semaphore(%arg13 : memref<!tpu.dma_semaphore, #tpu.memory_space<semaphore_mem>>)
    %dma_start3A_219 = arith.constant 1 : i32
    %dma_start3A_220 = arith.constant 0 : i32
    %dma_start3A_221 = arith.constant 0 : i32
    %dma_start3A_222 = tpu.memref_slice %arg11[%dma_start3A_219, %dma_start3A_220, %dma_start3A_221] : memref<2x128x64xf32, #tpu.memory_space<vmem>> -> memref<1x128x64xf32, #tpu.memory_space<vmem>>
    %dma_start3A_223 = tpu.memref_squeeze %dma_start3A_222 : memref<1x128x64xf32, #tpu.memory_space<vmem>> -> memref<128x64xf32, #tpu.memory_space<vmem>>
    %dma_start3A_224 = arith.constant 384 : i32
    %dma_start3A_225 = tpu.memref_slice %arg9[%dma_start3A_224] : memref<512xi32, #tpu.memory_space<vmem>> -> memref<128xi32, #tpu.memory_space<vmem>>
    %dma_start3A_226 = arith.constant 0 : i32
    %dma_start3A_227 = arith.constant 0 : i32
    %dma_start3A_228 = tpu.memref_slice %arg3[%dma_start3A_226, %dma_start3A_227] : memref<100000x64xf32, #tpu.memory_space<hbm>> -> memref<100000x64xf32, #tpu.memory_space<hbm>>
    tpu.enqueue_indirect_dma source(%dma_start3A_228 : memref<100000x64xf32, #tpu.memory_space<hbm>>) target(%dma_start3A_223 : memref<128x64xf32, #tpu.memory_space<vmem>>) offsets(%dma_start3A_225 : memref<128xi32, #tpu.memory_space<vmem>>) semaphore(%arg13 : memref<!tpu.dma_semaphore, #tpu.memory_space<semaphore_mem>>)
    %dma_wait3A_229 = arith.constant 0 : i32
    %dma_wait3A_230 = arith.constant 0 : i32
    %dma_wait3A_231 = arith.constant 0 : i32
    %dma_wait3A_232 = tpu.memref_slice %arg10[%dma_wait3A_229, %dma_wait3A_230, %dma_wait3A_231] : memref<2x128x64xf32, #tpu.memory_space<vmem>> -> memref<1x128x64xf32, #tpu.memory_space<vmem>>
    %dma_wait3A_233 = tpu.memref_squeeze %dma_wait3A_232 : memref<1x128x64xf32, #tpu.memory_space<vmem>> -> memref<128x64xf32, #tpu.memory_space<vmem>>
    %dma_wait3A_234 = arith.constant 256 : i32
    %dma_wait3A_235 = tpu.memref_slice %arg8[%dma_wait3A_234] : memref<512xi32, #tpu.memory_space<vmem>> -> memref<128xi32, #tpu.memory_space<vmem>>
    %dma_wait3A_236 = arith.constant 0 : i32
    %dma_wait3A_237 = arith.constant 0 : i32
    %dma_wait3A_238 = tpu.memref_slice %arg2[%dma_wait3A_236, %dma_wait3A_237] : memref<100000x64xf32, #tpu.memory_space<hbm>> -> memref<100000x64xf32, #tpu.memory_space<hbm>>
    tpu.wait_indirect_dma semaphore(%arg12 : memref<!tpu.dma_semaphore, #tpu.memory_space<semaphore_mem>>) src(%dma_wait3A_238 : memref<100000x64xf32, #tpu.memory_space<hbm>>) dst(%dma_wait3A_233 : memref<128x64xf32, #tpu.memory_space<vmem>>)
    %dma_wait3A_239 = arith.constant 0 : i32
    %dma_wait3A_240 = arith.constant 0 : i32
    %dma_wait3A_241 = arith.constant 0 : i32
    %dma_wait3A_242 = tpu.memref_slice %arg11[%dma_wait3A_239, %dma_wait3A_240, %dma_wait3A_241] : memref<2x128x64xf32, #tpu.memory_space<vmem>> -> memref<1x128x64xf32, #tpu.memory_space<vmem>>
    %dma_wait3A_243 = tpu.memref_squeeze %dma_wait3A_242 : memref<1x128x64xf32, #tpu.memory_space<vmem>> -> memref<128x64xf32, #tpu.memory_space<vmem>>
    %dma_wait3A_244 = arith.constant 256 : i32
    %dma_wait3A_245 = tpu.memref_slice %arg9[%dma_wait3A_244] : memref<512xi32, #tpu.memory_space<vmem>> -> memref<128xi32, #tpu.memory_space<vmem>>
    %dma_wait3A_246 = arith.constant 0 : i32
    %dma_wait3A_247 = arith.constant 0 : i32
    %dma_wait3A_248 = tpu.memref_slice %arg3[%dma_wait3A_246, %dma_wait3A_247] : memref<100000x64xf32, #tpu.memory_space<hbm>> -> memref<100000x64xf32, #tpu.memory_space<hbm>>
    tpu.wait_indirect_dma semaphore(%arg12 : memref<!tpu.dma_semaphore, #tpu.memory_space<semaphore_mem>>) src(%dma_wait3A_248 : memref<100000x64xf32, #tpu.memory_space<hbm>>) dst(%dma_wait3A_243 : memref<128x64xf32, #tpu.memory_space<vmem>>)
    %add3A_249 = arith.constant 256 : i32
    %add3A_250 = arith.addi %mul3A_2, %add3A_249 : i32
    %dma_start3A_251 = arith.constant 0 : i32
    %dma_start3A_252 = arith.constant 0 : i32
    %dma_start3A_253 = arith.constant 0 : i32
    %dma_start3A_254 = tpu.memref_slice %arg10[%dma_start3A_251, %dma_start3A_252, %dma_start3A_253] : memref<2x128x64xf32, #tpu.memory_space<vmem>> -> memref<1x128x64xf32, #tpu.memory_space<vmem>>
    %dma_start3A_255 = tpu.memref_squeeze %dma_start3A_254 : memref<1x128x64xf32, #tpu.memory_space<vmem>> -> memref<128x64xf32, #tpu.memory_space<vmem>>
    %dma_start3A_256 = arith.constant 0 : i32
    %dma_start3A_257 = tpu.memref_slice %arg6[%add3A_250, %dma_start3A_256] : memref<16384x64xf32, #tpu.memory_space<hbm>> -> memref<128x64xf32, #tpu.memory_space<hbm>>
    %dma_start3A_258 = arith.constant 0 : i32
    %dma_start3A_259 = tpu.memref_slice %arg6[%add3A_250, %dma_start3A_258] : memref<16384x64xf32, #tpu.memory_space<hbm>> -> memref<128x64xf32, #tpu.memory_space<hbm>>
    %dma_start3A_260 = arith.constant 0 : i32
    %dma_start3A_261 = arith.constant 0 : i32
    %dma_start3A_262 = tpu.memref_slice %arg10[%dma_start3A_251, %dma_start3A_260, %dma_start3A_261] : memref<2x128x64xf32, #tpu.memory_space<vmem>> -> memref<1x128x64xf32, #tpu.memory_space<vmem>>
    %dma_start3A_263 = tpu.memref_squeeze %dma_start3A_262 : memref<1x128x64xf32, #tpu.memory_space<vmem>> -> memref<128x64xf32, #tpu.memory_space<vmem>>
    tpu.enqueue_dma source(%dma_start3A_263 : memref<128x64xf32, #tpu.memory_space<vmem>>) target(%dma_start3A_259 : memref<128x64xf32, #tpu.memory_space<hbm>>) target_semaphore(%arg14 : memref<!tpu.dma_semaphore, #tpu.memory_space<semaphore_mem>>)
    %dma_start3A_264 = arith.constant 0 : i32
    %dma_start3A_265 = arith.constant 0 : i32
    %dma_start3A_266 = arith.constant 0 : i32
    %dma_start3A_267 = tpu.memref_slice %arg11[%dma_start3A_264, %dma_start3A_265, %dma_start3A_266] : memref<2x128x64xf32, #tpu.memory_space<vmem>> -> memref<1x128x64xf32, #tpu.memory_space<vmem>>
    %dma_start3A_268 = tpu.memref_squeeze %dma_start3A_267 : memref<1x128x64xf32, #tpu.memory_space<vmem>> -> memref<128x64xf32, #tpu.memory_space<vmem>>
    %dma_start3A_269 = arith.constant 0 : i32
    %dma_start3A_270 = tpu.memref_slice %arg7[%add3A_250, %dma_start3A_269] : memref<16384x64xf32, #tpu.memory_space<hbm>> -> memref<128x64xf32, #tpu.memory_space<hbm>>
    %dma_start3A_271 = arith.constant 0 : i32
    %dma_start3A_272 = tpu.memref_slice %arg7[%add3A_250, %dma_start3A_271] : memref<16384x64xf32, #tpu.memory_space<hbm>> -> memref<128x64xf32, #tpu.memory_space<hbm>>
    %dma_start3A_273 = arith.constant 0 : i32
    %dma_start3A_274 = arith.constant 0 : i32
    %dma_start3A_275 = tpu.memref_slice %arg11[%dma_start3A_264, %dma_start3A_273, %dma_start3A_274] : memref<2x128x64xf32, #tpu.memory_space<vmem>> -> memref<1x128x64xf32, #tpu.memory_space<vmem>>
    %dma_start3A_276 = tpu.memref_squeeze %dma_start3A_275 : memref<1x128x64xf32, #tpu.memory_space<vmem>> -> memref<128x64xf32, #tpu.memory_space<vmem>>
    tpu.enqueue_dma source(%dma_start3A_276 : memref<128x64xf32, #tpu.memory_space<vmem>>) target(%dma_start3A_272 : memref<128x64xf32, #tpu.memory_space<hbm>>) target_semaphore(%arg14 : memref<!tpu.dma_semaphore, #tpu.memory_space<semaphore_mem>>)
    %dma_wait3A_277 = arith.constant 1 : i32
    %dma_wait3A_278 = arith.constant 0 : i32
    %dma_wait3A_279 = arith.constant 0 : i32
    %dma_wait3A_280 = tpu.memref_slice %arg10[%dma_wait3A_277, %dma_wait3A_278, %dma_wait3A_279] : memref<2x128x64xf32, #tpu.memory_space<vmem>> -> memref<1x128x64xf32, #tpu.memory_space<vmem>>
    %dma_wait3A_281 = tpu.memref_squeeze %dma_wait3A_280 : memref<1x128x64xf32, #tpu.memory_space<vmem>> -> memref<128x64xf32, #tpu.memory_space<vmem>>
    %dma_wait3A_282 = arith.constant 384 : i32
    %dma_wait3A_283 = tpu.memref_slice %arg8[%dma_wait3A_282] : memref<512xi32, #tpu.memory_space<vmem>> -> memref<128xi32, #tpu.memory_space<vmem>>
    %dma_wait3A_284 = arith.constant 0 : i32
    %dma_wait3A_285 = arith.constant 0 : i32
    %dma_wait3A_286 = tpu.memref_slice %arg2[%dma_wait3A_284, %dma_wait3A_285] : memref<100000x64xf32, #tpu.memory_space<hbm>> -> memref<100000x64xf32, #tpu.memory_space<hbm>>
    tpu.wait_indirect_dma semaphore(%arg13 : memref<!tpu.dma_semaphore, #tpu.memory_space<semaphore_mem>>) src(%dma_wait3A_286 : memref<100000x64xf32, #tpu.memory_space<hbm>>) dst(%dma_wait3A_281 : memref<128x64xf32, #tpu.memory_space<vmem>>)
    %dma_wait3A_287 = arith.constant 1 : i32
    %dma_wait3A_288 = arith.constant 0 : i32
    %dma_wait3A_289 = arith.constant 0 : i32
    %dma_wait3A_290 = tpu.memref_slice %arg11[%dma_wait3A_287, %dma_wait3A_288, %dma_wait3A_289] : memref<2x128x64xf32, #tpu.memory_space<vmem>> -> memref<1x128x64xf32, #tpu.memory_space<vmem>>
    %dma_wait3A_291 = tpu.memref_squeeze %dma_wait3A_290 : memref<1x128x64xf32, #tpu.memory_space<vmem>> -> memref<128x64xf32, #tpu.memory_space<vmem>>
    %dma_wait3A_292 = arith.constant 384 : i32
    %dma_wait3A_293 = tpu.memref_slice %arg9[%dma_wait3A_292] : memref<512xi32, #tpu.memory_space<vmem>> -> memref<128xi32, #tpu.memory_space<vmem>>
    %dma_wait3A_294 = arith.constant 0 : i32
    %dma_wait3A_295 = arith.constant 0 : i32
    %dma_wait3A_296 = tpu.memref_slice %arg3[%dma_wait3A_294, %dma_wait3A_295] : memref<100000x64xf32, #tpu.memory_space<hbm>> -> memref<100000x64xf32, #tpu.memory_space<hbm>>
    tpu.wait_indirect_dma semaphore(%arg13 : memref<!tpu.dma_semaphore, #tpu.memory_space<semaphore_mem>>) src(%dma_wait3A_296 : memref<100000x64xf32, #tpu.memory_space<hbm>>) dst(%dma_wait3A_291 : memref<128x64xf32, #tpu.memory_space<vmem>>)
    %add3A_297 = arith.constant 384 : i32
    %add3A_298 = arith.addi %mul3A_2, %add3A_297 : i32
    %dma_start3A_299 = arith.constant 1 : i32
    %dma_start3A_300 = arith.constant 0 : i32
    %dma_start3A_301 = arith.constant 0 : i32
    %dma_start3A_302 = tpu.memref_slice %arg10[%dma_start3A_299, %dma_start3A_300, %dma_start3A_301] : memref<2x128x64xf32, #tpu.memory_space<vmem>> -> memref<1x128x64xf32, #tpu.memory_space<vmem>>
    %dma_start3A_303 = tpu.memref_squeeze %dma_start3A_302 : memref<1x128x64xf32, #tpu.memory_space<vmem>> -> memref<128x64xf32, #tpu.memory_space<vmem>>
    %dma_start3A_304 = arith.constant 0 : i32
    %dma_start3A_305 = tpu.memref_slice %arg6[%add3A_298, %dma_start3A_304] : memref<16384x64xf32, #tpu.memory_space<hbm>> -> memref<128x64xf32, #tpu.memory_space<hbm>>
    %dma_start3A_306 = arith.constant 0 : i32
    %dma_start3A_307 = tpu.memref_slice %arg6[%add3A_298, %dma_start3A_306] : memref<16384x64xf32, #tpu.memory_space<hbm>> -> memref<128x64xf32, #tpu.memory_space<hbm>>
    %dma_start3A_308 = arith.constant 0 : i32
    %dma_start3A_309 = arith.constant 0 : i32
    %dma_start3A_310 = tpu.memref_slice %arg10[%dma_start3A_299, %dma_start3A_308, %dma_start3A_309] : memref<2x128x64xf32, #tpu.memory_space<vmem>> -> memref<1x128x64xf32, #tpu.memory_space<vmem>>
    %dma_start3A_311 = tpu.memref_squeeze %dma_start3A_310 : memref<1x128x64xf32, #tpu.memory_space<vmem>> -> memref<128x64xf32, #tpu.memory_space<vmem>>
    tpu.enqueue_dma source(%dma_start3A_311 : memref<128x64xf32, #tpu.memory_space<vmem>>) target(%dma_start3A_307 : memref<128x64xf32, #tpu.memory_space<hbm>>) target_semaphore(%arg15 : memref<!tpu.dma_semaphore, #tpu.memory_space<semaphore_mem>>)
    %dma_start3A_312 = arith.constant 1 : i32
    %dma_start3A_313 = arith.constant 0 : i32
    %dma_start3A_314 = arith.constant 0 : i32
    %dma_start3A_315 = tpu.memref_slice %arg11[%dma_start3A_312, %dma_start3A_313, %dma_start3A_314] : memref<2x128x64xf32, #tpu.memory_space<vmem>> -> memref<1x128x64xf32, #tpu.memory_space<vmem>>
    %dma_start3A_316 = tpu.memref_squeeze %dma_start3A_315 : memref<1x128x64xf32, #tpu.memory_space<vmem>> -> memref<128x64xf32, #tpu.memory_space<vmem>>
    %dma_start3A_317 = arith.constant 0 : i32
    %dma_start3A_318 = tpu.memref_slice %arg7[%add3A_298, %dma_start3A_317] : memref<16384x64xf32, #tpu.memory_space<hbm>> -> memref<128x64xf32, #tpu.memory_space<hbm>>
    %dma_start3A_319 = arith.constant 0 : i32
    %dma_start3A_320 = tpu.memref_slice %arg7[%add3A_298, %dma_start3A_319] : memref<16384x64xf32, #tpu.memory_space<hbm>> -> memref<128x64xf32, #tpu.memory_space<hbm>>
    %dma_start3A_321 = arith.constant 0 : i32
    %dma_start3A_322 = arith.constant 0 : i32
    %dma_start3A_323 = tpu.memref_slice %arg11[%dma_start3A_312, %dma_start3A_321, %dma_start3A_322] : memref<2x128x64xf32, #tpu.memory_space<vmem>> -> memref<1x128x64xf32, #tpu.memory_space<vmem>>
    %dma_start3A_324 = tpu.memref_squeeze %dma_start3A_323 : memref<1x128x64xf32, #tpu.memory_space<vmem>> -> memref<128x64xf32, #tpu.memory_space<vmem>>
    tpu.enqueue_dma source(%dma_start3A_324 : memref<128x64xf32, #tpu.memory_space<vmem>>) target(%dma_start3A_320 : memref<128x64xf32, #tpu.memory_space<hbm>>) target_semaphore(%arg15 : memref<!tpu.dma_semaphore, #tpu.memory_space<semaphore_mem>>)
    %dma_wait3A_325 = arith.constant 0 : i32
    %dma_wait3A_326 = arith.constant 0 : i32
    %dma_wait3A_327 = arith.constant 0 : i32
    %dma_wait3A_328 = tpu.memref_slice %arg10[%dma_wait3A_325, %dma_wait3A_326, %dma_wait3A_327] : memref<2x128x64xf32, #tpu.memory_space<vmem>> -> memref<1x128x64xf32, #tpu.memory_space<vmem>>
    %dma_wait3A_329 = tpu.memref_squeeze %dma_wait3A_328 : memref<1x128x64xf32, #tpu.memory_space<vmem>> -> memref<128x64xf32, #tpu.memory_space<vmem>>
    %dma_wait3A_330 = arith.constant 0 : i32
    %dma_wait3A_331 = tpu.memref_slice %arg6[%add3A_250, %dma_wait3A_330] : memref<16384x64xf32, #tpu.memory_space<hbm>> -> memref<128x64xf32, #tpu.memory_space<hbm>>
    %dma_wait3A_332 = arith.constant 0 : i32
    %dma_wait3A_333 = tpu.memref_slice %arg6[%add3A_250, %dma_wait3A_332] : memref<16384x64xf32, #tpu.memory_space<hbm>> -> memref<128x64xf32, #tpu.memory_space<hbm>>
    %dma_wait3A_334 = arith.constant 0 : i32
    %dma_wait3A_335 = arith.constant 0 : i32
    %dma_wait3A_336 = tpu.memref_slice %arg10[%dma_wait3A_325, %dma_wait3A_334, %dma_wait3A_335] : memref<2x128x64xf32, #tpu.memory_space<vmem>> -> memref<1x128x64xf32, #tpu.memory_space<vmem>>
    %dma_wait3A_337 = tpu.memref_squeeze %dma_wait3A_336 : memref<1x128x64xf32, #tpu.memory_space<vmem>> -> memref<128x64xf32, #tpu.memory_space<vmem>>
    tpu.wait_dma2 semaphore(%arg14 : memref<!tpu.dma_semaphore, #tpu.memory_space<semaphore_mem>>) src(%dma_wait3A_337 : memref<128x64xf32, #tpu.memory_space<vmem>>) dst(%dma_wait3A_333 : memref<128x64xf32, #tpu.memory_space<hbm>>)
    %dma_wait3A_338 = arith.constant 0 : i32
    %dma_wait3A_339 = arith.constant 0 : i32
    %dma_wait3A_340 = arith.constant 0 : i32
    %dma_wait3A_341 = tpu.memref_slice %arg11[%dma_wait3A_338, %dma_wait3A_339, %dma_wait3A_340] : memref<2x128x64xf32, #tpu.memory_space<vmem>> -> memref<1x128x64xf32, #tpu.memory_space<vmem>>
    %dma_wait3A_342 = tpu.memref_squeeze %dma_wait3A_341 : memref<1x128x64xf32, #tpu.memory_space<vmem>> -> memref<128x64xf32, #tpu.memory_space<vmem>>
    %dma_wait3A_343 = arith.constant 0 : i32
    %dma_wait3A_344 = tpu.memref_slice %arg7[%add3A_250, %dma_wait3A_343] : memref<16384x64xf32, #tpu.memory_space<hbm>> -> memref<128x64xf32, #tpu.memory_space<hbm>>
    %dma_wait3A_345 = arith.constant 0 : i32
    %dma_wait3A_346 = tpu.memref_slice %arg7[%add3A_250, %dma_wait3A_345] : memref<16384x64xf32, #tpu.memory_space<hbm>> -> memref<128x64xf32, #tpu.memory_space<hbm>>
    %dma_wait3A_347 = arith.constant 0 : i32
    %dma_wait3A_348 = arith.constant 0 : i32
    %dma_wait3A_349 = tpu.memref_slice %arg11[%dma_wait3A_338, %dma_wait3A_347, %dma_wait3A_348] : memref<2x128x64xf32, #tpu.memory_space<vmem>> -> memref<1x128x64xf32, #tpu.memory_space<vmem>>
    %dma_wait3A_350 = tpu.memref_squeeze %dma_wait3A_349 : memref<1x128x64xf32, #tpu.memory_space<vmem>> -> memref<128x64xf32, #tpu.memory_space<vmem>>
    tpu.wait_dma2 semaphore(%arg14 : memref<!tpu.dma_semaphore, #tpu.memory_space<semaphore_mem>>) src(%dma_wait3A_350 : memref<128x64xf32, #tpu.memory_space<vmem>>) dst(%dma_wait3A_346 : memref<128x64xf32, #tpu.memory_space<hbm>>)
    %dma_wait3A_351 = arith.constant 1 : i32
    %dma_wait3A_352 = arith.constant 0 : i32
    %dma_wait3A_353 = arith.constant 0 : i32
    %dma_wait3A_354 = tpu.memref_slice %arg10[%dma_wait3A_351, %dma_wait3A_352, %dma_wait3A_353] : memref<2x128x64xf32, #tpu.memory_space<vmem>> -> memref<1x128x64xf32, #tpu.memory_space<vmem>>
    %dma_wait3A_355 = tpu.memref_squeeze %dma_wait3A_354 : memref<1x128x64xf32, #tpu.memory_space<vmem>> -> memref<128x64xf32, #tpu.memory_space<vmem>>
    %dma_wait3A_356 = arith.constant 0 : i32
    %dma_wait3A_357 = tpu.memref_slice %arg6[%add3A_298, %dma_wait3A_356] : memref<16384x64xf32, #tpu.memory_space<hbm>> -> memref<128x64xf32, #tpu.memory_space<hbm>>
    %dma_wait3A_358 = arith.constant 0 : i32
    %dma_wait3A_359 = tpu.memref_slice %arg6[%add3A_298, %dma_wait3A_358] : memref<16384x64xf32, #tpu.memory_space<hbm>> -> memref<128x64xf32, #tpu.memory_space<hbm>>
    %dma_wait3A_360 = arith.constant 0 : i32
    %dma_wait3A_361 = arith.constant 0 : i32
    %dma_wait3A_362 = tpu.memref_slice %arg10[%dma_wait3A_351, %dma_wait3A_360, %dma_wait3A_361] : memref<2x128x64xf32, #tpu.memory_space<vmem>> -> memref<1x128x64xf32, #tpu.memory_space<vmem>>
    %dma_wait3A_363 = tpu.memref_squeeze %dma_wait3A_362 : memref<1x128x64xf32, #tpu.memory_space<vmem>> -> memref<128x64xf32, #tpu.memory_space<vmem>>
    tpu.wait_dma2 semaphore(%arg15 : memref<!tpu.dma_semaphore, #tpu.memory_space<semaphore_mem>>) src(%dma_wait3A_363 : memref<128x64xf32, #tpu.memory_space<vmem>>) dst(%dma_wait3A_359 : memref<128x64xf32, #tpu.memory_space<hbm>>)
    %dma_wait3A_364 = arith.constant 1 : i32
    %dma_wait3A_365 = arith.constant 0 : i32
    %dma_wait3A_366 = arith.constant 0 : i32
    %dma_wait3A_367 = tpu.memref_slice %arg11[%dma_wait3A_364, %dma_wait3A_365, %dma_wait3A_366] : memref<2x128x64xf32, #tpu.memory_space<vmem>> -> memref<1x128x64xf32, #tpu.memory_space<vmem>>
    %dma_wait3A_368 = tpu.memref_squeeze %dma_wait3A_367 : memref<1x128x64xf32, #tpu.memory_space<vmem>> -> memref<128x64xf32, #tpu.memory_space<vmem>>
    %dma_wait3A_369 = arith.constant 0 : i32
    %dma_wait3A_370 = tpu.memref_slice %arg7[%add3A_298, %dma_wait3A_369] : memref<16384x64xf32, #tpu.memory_space<hbm>> -> memref<128x64xf32, #tpu.memory_space<hbm>>
    %dma_wait3A_371 = arith.constant 0 : i32
    %dma_wait3A_372 = tpu.memref_slice %arg7[%add3A_298, %dma_wait3A_371] : memref<16384x64xf32, #tpu.memory_space<hbm>> -> memref<128x64xf32, #tpu.memory_space<hbm>>
    %dma_wait3A_373 = arith.constant 0 : i32
    %dma_wait3A_374 = arith.constant 0 : i32
    %dma_wait3A_375 = tpu.memref_slice %arg11[%dma_wait3A_364, %dma_wait3A_373, %dma_wait3A_374] : memref<2x128x64xf32, #tpu.memory_space<vmem>> -> memref<1x128x64xf32, #tpu.memory_space<vmem>>
    %dma_wait3A_376 = tpu.memref_squeeze %dma_wait3A_375 : memref<1x128x64xf32, #tpu.memory_space<vmem>> -> memref<128x64xf32, #tpu.memory_space<vmem>>
    tpu.wait_dma2 semaphore(%arg15 : memref<!tpu.dma_semaphore, #tpu.memory_space<semaphore_mem>>) src(%dma_wait3A_376 : memref<128x64xf32, #tpu.memory_space<vmem>>) dst(%dma_wait3A_372 : memref<128x64xf32, #tpu.memory_space<hbm>>)
    return
  }
}

module attributes {stable_mosaic.version = 14 : i64} {
  func.func @_dense_body(%arg0: i32, %arg1: memref<2048x1xi32, #tpu.memory_space<vmem>>, %arg2: memref<2048x1xi32, #tpu.memory_space<vmem>>, %arg3: memref<2048x3xf32, #tpu.memory_space<vmem>>, %arg4: memref<2048x64xf32, #tpu.memory_space<vmem>>, %arg5: memref<2048x64xf32, #tpu.memory_space<vmem>>, %arg6: memref<3xf32, #tpu.memory_space<vmem>>, %arg7: memref<3xf32, #tpu.memory_space<vmem>>, %arg8: memref<3x128xf32, #tpu.memory_space<vmem>>, %arg9: memref<128xf32, #tpu.memory_space<vmem>>, %arg10: memref<128xf32, #tpu.memory_space<vmem>>, %arg11: memref<128xf32, #tpu.memory_space<vmem>>, %arg12: memref<128x128xf32, #tpu.memory_space<vmem>>, %arg13: memref<128xf32, #tpu.memory_space<vmem>>, %arg14: memref<128x128xf32, #tpu.memory_space<vmem>>, %arg15: memref<128xf32, #tpu.memory_space<vmem>>, %arg16: memref<256x128xf32, #tpu.memory_space<vmem>>, %arg17: memref<128xf32, #tpu.memory_space<vmem>>, %arg18: memref<128xf32, #tpu.memory_space<vmem>>, %arg19: memref<128xf32, #tpu.memory_space<vmem>>, %arg20: memref<2048x128xf32, #tpu.memory_space<vmem>>) attributes {dimension_semantics = [#tpu.dimension_semantics<parallel>], iteration_bounds = array<i64: 8>, scalar_prefetch = 0 : i64, scratch_operands = 0 : i64, tpu.core_type = #tpu.core_type<tc>, window_params = [{transform_indices = @transform_0, window_bounds = array<i64: 2048, 1>}, {transform_indices = @transform_1, window_bounds = array<i64: 2048, 1>}, {transform_indices = @transform_2, window_bounds = array<i64: 2048, 3>}, {transform_indices = @transform_3, window_bounds = array<i64: 2048, 64>}, {transform_indices = @transform_4, window_bounds = array<i64: 2048, 64>}, {pipeline_mode = #tpu.pipeline_mode<synchronous>, transform_indices = @transform_5, window_bounds = array<i64: 3>}, {pipeline_mode = #tpu.pipeline_mode<synchronous>, transform_indices = @transform_6, window_bounds = array<i64: 3>}, {pipeline_mode = #tpu.pipeline_mode<synchronous>, transform_indices = @transform_7, window_bounds = array<i64: 3, 128>}, {pipeline_mode = #tpu.pipeline_mode<synchronous>, transform_indices = @transform_8, window_bounds = array<i64: 128>}, {pipeline_mode = #tpu.pipeline_mode<synchronous>, transform_indices = @transform_9, window_bounds = array<i64: 128>}, {pipeline_mode = #tpu.pipeline_mode<synchronous>, transform_indices = @transform_10, window_bounds = array<i64: 128>}, {pipeline_mode = #tpu.pipeline_mode<synchronous>, transform_indices = @transform_11, window_bounds = array<i64: 128, 128>}, {pipeline_mode = #tpu.pipeline_mode<synchronous>, transform_indices = @transform_12, window_bounds = array<i64: 128>}, {pipeline_mode = #tpu.pipeline_mode<synchronous>, transform_indices = @transform_13, window_bounds = array<i64: 128, 128>}, {pipeline_mode = #tpu.pipeline_mode<synchronous>, transform_indices = @transform_14, window_bounds = array<i64: 128>}, {pipeline_mode = #tpu.pipeline_mode<synchronous>, transform_indices = @transform_15, window_bounds = array<i64: 256, 128>}, {pipeline_mode = #tpu.pipeline_mode<synchronous>, transform_indices = @transform_16, window_bounds = array<i64: 128>}, {pipeline_mode = #tpu.pipeline_mode<synchronous>, transform_indices = @transform_17, window_bounds = array<i64: 128>}, {pipeline_mode = #tpu.pipeline_mode<synchronous>, transform_indices = @transform_18, window_bounds = array<i64: 128>}, {transform_indices = @transform_19, window_bounds = array<i64: 2048, 128>}]} {
    %get3A = arith.constant 0 : index
    %get3A_0 = arith.constant 0 : index
    %get3A_1 = vector.load %arg1[%get3A, %get3A_0] : memref<2048x1xi32, #tpu.memory_space<vmem>>, vector<2048x1xi32>
    %eq3A = arith.constant 0 : i32
    %eq3A_2 = vector.broadcast %eq3A : i32 to vector<2048x1xi32>
    %eq3A_3 = arith.cmpi eq, %get3A_1, %eq3A_2 : vector<2048x1xi32>
    %get3A_4 = arith.constant 0 : index
    %get3A_5 = arith.constant 0 : index
    %get3A_6 = vector.load %arg2[%get3A_4, %get3A_5] : memref<2048x1xi32, #tpu.memory_space<vmem>>, vector<2048x1xi32>
    %eq3A_7 = arith.constant 0 : i32
    %eq3A_8 = vector.broadcast %eq3A_7 : i32 to vector<2048x1xi32>
    %eq3A_9 = arith.cmpi eq, %get3A_6, %eq3A_8 : vector<2048x1xi32>
    %and3A = arith.andi %eq3A_3, %eq3A_9 : vector<2048x1xi1>
    %get3A_10 = arith.constant 0 : index
    %get3A_11 = arith.constant 0 : index
    %get3A_12 = vector.load %arg4[%get3A_10, %get3A_11] : memref<2048x64xf32, #tpu.memory_space<vmem>>, vector<2048x64xf32>
    %get3A_13 = arith.constant 0 : index
    %get3A_14 = arith.constant 0 : index
    %get3A_15 = vector.load %arg5[%get3A_13, %get3A_14] : memref<2048x64xf32, #tpu.memory_space<vmem>>, vector<2048x64xf32>
    %concatenate3A = tpu.concatenate %get3A_12, %get3A_15 in 1 : vector<2048x64xf32>, vector<2048x64xf32> -> vector<2048x128xf32>
    %get3A_16 = arith.constant 0 : index
    %get3A_17 = arith.constant 0 : index
    %get3A_18 = vector.load %arg3[%get3A_16, %get3A_17] : memref<2048x3xf32, #tpu.memory_space<vmem>>, vector<2048x3xf32>
    %max3A = arith.constant 0.000000e+00 : f32
    %max3A_19 = vector.broadcast %max3A : f32 to vector<2048x3xf32>
    %max3A_20 = arith.maximumf %get3A_18, %max3A_19 : vector<2048x3xf32>
    %log1p3A = math.log1p %max3A_20 : vector<2048x3xf32>
    %get3A_21 = arith.constant 0 : index
    %get3A_22 = vector.load %arg6[%get3A_21] : memref<3xf32, #tpu.memory_space<vmem>>, vector<3xf32>
    %get3A_23 = arith.constant 0 : index
    %get3A_24 = vector.load %arg7[%get3A_23] : memref<3xf32, #tpu.memory_space<vmem>>, vector<3xf32>
    %reduce_sum3A = arith.constant dense<0.000000e+00> : vector<2048xf32>
    %reduce_sum3A_25 = vector.multi_reduction <add>, %log1p3A, %reduce_sum3A [1] : vector<2048x3xf32> to vector<2048xf32>
    %broadcast_in_dim3A = vector.shape_cast %reduce_sum3A_25 : vector<2048xf32> to vector<2048x1xf32>
    %div3A = arith.constant 3.000000e+00 : f32
    %div3A_26 = vector.broadcast %div3A : f32 to vector<2048x1xf32>
    %div3A_27 = arith.divf %broadcast_in_dim3A, %div3A_26 : vector<2048x1xf32>
    %sub3A = vector.broadcast %div3A_27 : vector<2048x1xf32> to vector<2048x3xf32>
    %sub3A_28 = arith.subf %log1p3A, %sub3A : vector<2048x3xf32>
    %integer_pow3A = arith.mulf %sub3A_28, %sub3A_28 : vector<2048x3xf32>
    %reduce_sum3A_29 = arith.constant dense<0.000000e+00> : vector<2048xf32>
    %reduce_sum3A_30 = vector.multi_reduction <add>, %integer_pow3A, %reduce_sum3A_29 [1] : vector<2048x3xf32> to vector<2048xf32>
    %broadcast_in_dim3A_31 = vector.shape_cast %reduce_sum3A_30 : vector<2048xf32> to vector<2048x1xf32>
    %div3A_32 = arith.constant 3.000000e+00 : f32
    %div3A_33 = vector.broadcast %div3A_32 : f32 to vector<2048x1xf32>
    %div3A_34 = arith.divf %broadcast_in_dim3A_31, %div3A_33 : vector<2048x1xf32>
    %sub3A_35 = vector.broadcast %div3A_27 : vector<2048x1xf32> to vector<2048x3xf32>
    %sub3A_36 = arith.subf %log1p3A, %sub3A_35 : vector<2048x3xf32>
    %add3A = arith.constant 9.99999974E-6 : f32
    %add3A_37 = vector.broadcast %add3A : f32 to vector<2048x1xf32>
    %add3A_38 = arith.addf %div3A_34, %add3A_37 : vector<2048x1xf32>
    %sqrt3A = math.sqrt %add3A_38 : vector<2048x1xf32>
    %div3A_39 = vector.broadcast %sqrt3A : vector<2048x1xf32> to vector<2048x3xf32>
    %div3A_40 = arith.divf %sub3A_36, %div3A_39 : vector<2048x3xf32>
    %broadcast_in_dim3A_41 = vector.shape_cast %get3A_22 : vector<3xf32> to vector<1x3xf32>
    %mul3A = vector.broadcast %broadcast_in_dim3A_41 : vector<1x3xf32> to vector<2048x3xf32>
    %mul3A_42 = arith.mulf %div3A_40, %mul3A : vector<2048x3xf32>
    %broadcast_in_dim3A_43 = vector.shape_cast %get3A_24 : vector<3xf32> to vector<1x3xf32>
    %add3A_44 = vector.broadcast %broadcast_in_dim3A_43 : vector<1x3xf32> to vector<2048x3xf32>
    %add3A_45 = arith.addf %mul3A_42, %add3A_44 : vector<2048x3xf32>
    %get3A_46 = arith.constant 0 : index
    %get3A_47 = arith.constant 0 : index
    %get3A_48 = vector.load %arg8[%get3A_46, %get3A_47] : memref<3x128xf32, #tpu.memory_space<vmem>>, vector<3x128xf32>
    %dot_general3A = arith.constant dense<0.000000e+00> : vector<2048x128xf32>
    %dot_general3A_49 = tpu.matmul %add3A_45, %get3A_48, %dot_general3A {dimension_numbers = #tpu.dot_dimension_numbers<[1], [0], [0], [1], [0, 0, 1, 1], [], []>, transpose_lhs_hint = false} : vector<2048x3xf32>, vector<3x128xf32>, vector<2048x128xf32> -> vector<2048x128xf32>
    %get3A_50 = arith.constant 0 : index
    %get3A_51 = vector.load %arg9[%get3A_50] : memref<128xf32, #tpu.memory_space<vmem>>, vector<128xf32>
    %broadcast_in_dim3A_52 = vector.shape_cast %get3A_51 : vector<128xf32> to vector<1x128xf32>
    %add3A_53 = vector.broadcast %broadcast_in_dim3A_52 : vector<1x128xf32> to vector<2048x128xf32>
    %add3A_54 = arith.addf %dot_general3A_49, %add3A_53 : vector<2048x128xf32>
    %max3A_55 = arith.constant 0.000000e+00 : f32
    %max3A_56 = vector.broadcast %max3A_55 : f32 to vector<2048x128xf32>
    %max3A_57 = arith.maximumf %add3A_54, %max3A_56 : vector<2048x128xf32>
    %get3A_58 = arith.constant 0 : index
    %get3A_59 = vector.load %arg10[%get3A_58] : memref<128xf32, #tpu.memory_space<vmem>>, vector<128xf32>
    %get3A_60 = arith.constant 0 : index
    %get3A_61 = vector.load %arg11[%get3A_60] : memref<128xf32, #tpu.memory_space<vmem>>, vector<128xf32>
    %reduce_sum3A_62 = arith.constant dense<0.000000e+00> : vector<2048xf32>
    %reduce_sum3A_63 = vector.multi_reduction <add>, %max3A_57, %reduce_sum3A_62 [1] : vector<2048x128xf32> to vector<2048xf32>
    %broadcast_in_dim3A_64 = vector.shape_cast %reduce_sum3A_63 : vector<2048xf32> to vector<2048x1xf32>
    %div3A_65 = arith.constant 1.280000e+02 : f32
    %div3A_66 = vector.broadcast %div3A_65 : f32 to vector<2048x1xf32>
    %div3A_67 = arith.divf %broadcast_in_dim3A_64, %div3A_66 : vector<2048x1xf32>
    %sub3A_68 = vector.broadcast %div3A_67 : vector<2048x1xf32> to vector<2048x128xf32>
    %sub3A_69 = arith.subf %max3A_57, %sub3A_68 : vector<2048x128xf32>
    %integer_pow3A_70 = arith.mulf %sub3A_69, %sub3A_69 : vector<2048x128xf32>
    %reduce_sum3A_71 = arith.constant dense<0.000000e+00> : vector<2048xf32>
    %reduce_sum3A_72 = vector.multi_reduction <add>, %integer_pow3A_70, %reduce_sum3A_71 [1] : vector<2048x128xf32> to vector<2048xf32>
    %broadcast_in_dim3A_73 = vector.shape_cast %reduce_sum3A_72 : vector<2048xf32> to vector<2048x1xf32>
    %div3A_74 = arith.constant 1.280000e+02 : f32
    %div3A_75 = vector.broadcast %div3A_74 : f32 to vector<2048x1xf32>
    %div3A_76 = arith.divf %broadcast_in_dim3A_73, %div3A_75 : vector<2048x1xf32>
    %sub3A_77 = vector.broadcast %div3A_67 : vector<2048x1xf32> to vector<2048x128xf32>
    %sub3A_78 = arith.subf %max3A_57, %sub3A_77 : vector<2048x128xf32>
    %add3A_79 = arith.constant 9.99999974E-6 : f32
    %add3A_80 = vector.broadcast %add3A_79 : f32 to vector<2048x1xf32>
    %add3A_81 = arith.addf %div3A_76, %add3A_80 : vector<2048x1xf32>
    %sqrt3A_82 = math.sqrt %add3A_81 : vector<2048x1xf32>
    %div3A_83 = vector.broadcast %sqrt3A_82 : vector<2048x1xf32> to vector<2048x128xf32>
    %div3A_84 = arith.divf %sub3A_78, %div3A_83 : vector<2048x128xf32>
    %broadcast_in_dim3A_85 = vector.shape_cast %get3A_59 : vector<128xf32> to vector<1x128xf32>
    %mul3A_86 = vector.broadcast %broadcast_in_dim3A_85 : vector<1x128xf32> to vector<2048x128xf32>
    %mul3A_87 = arith.mulf %div3A_84, %mul3A_86 : vector<2048x128xf32>
    %broadcast_in_dim3A_88 = vector.shape_cast %get3A_61 : vector<128xf32> to vector<1x128xf32>
    %add3A_89 = vector.broadcast %broadcast_in_dim3A_88 : vector<1x128xf32> to vector<2048x128xf32>
    %add3A_90 = arith.addf %mul3A_87, %add3A_89 : vector<2048x128xf32>
    %get3A_91 = arith.constant 0 : index
    %get3A_92 = arith.constant 0 : index
    %get3A_93 = vector.load %arg12[%get3A_91, %get3A_92] : memref<128x128xf32, #tpu.memory_space<vmem>>, vector<128x128xf32>
    %dot_general3A_94 = arith.constant dense<0.000000e+00> : vector<2048x128xf32>
    %dot_general3A_95 = tpu.matmul %add3A_90, %get3A_93, %dot_general3A_94 {dimension_numbers = #tpu.dot_dimension_numbers<[1], [0], [0], [1], [0, 0, 1, 1], [], []>, transpose_lhs_hint = false} : vector<2048x128xf32>, vector<128x128xf32>, vector<2048x128xf32> -> vector<2048x128xf32>
    %get3A_96 = arith.constant 0 : index
    %get3A_97 = vector.load %arg13[%get3A_96] : memref<128xf32, #tpu.memory_space<vmem>>, vector<128xf32>
    %broadcast_in_dim3A_98 = vector.shape_cast %get3A_97 : vector<128xf32> to vector<1x128xf32>
    %add3A_99 = vector.broadcast %broadcast_in_dim3A_98 : vector<1x128xf32> to vector<2048x128xf32>
    %add3A_100 = arith.addf %dot_general3A_95, %add3A_99 : vector<2048x128xf32>
    %logistic3A = arith.negf %add3A_100 : vector<2048x128xf32>
    %logistic3A_101 = math.exp %logistic3A : vector<2048x128xf32>
    %logistic3A_102 = arith.constant 1.000000e+00 : f32
    %logistic3A_103 = vector.broadcast %logistic3A_102 : f32 to vector<2048x128xf32>
    %logistic3A_104 = arith.addf %logistic3A_103, %logistic3A_101 : vector<2048x128xf32>
    %logistic3A_105 = arith.divf %logistic3A_103, %logistic3A_104 : vector<2048x128xf32>
    %get3A_106 = arith.constant 0 : index
    %get3A_107 = arith.constant 0 : index
    %get3A_108 = vector.load %arg14[%get3A_106, %get3A_107] : memref<128x128xf32, #tpu.memory_space<vmem>>, vector<128x128xf32>
    %dot_general3A_109 = arith.constant dense<0.000000e+00> : vector<2048x128xf32>
    %dot_general3A_110 = tpu.matmul %add3A_90, %get3A_108, %dot_general3A_109 {dimension_numbers = #tpu.dot_dimension_numbers<[1], [0], [0], [1], [0, 0, 1, 1], [], []>, transpose_lhs_hint = false} : vector<2048x128xf32>, vector<128x128xf32>, vector<2048x128xf32> -> vector<2048x128xf32>
    %get3A_111 = arith.constant 0 : index
    %get3A_112 = vector.load %arg15[%get3A_111] : memref<128xf32, #tpu.memory_space<vmem>>, vector<128xf32>
    %broadcast_in_dim3A_113 = vector.shape_cast %get3A_112 : vector<128xf32> to vector<1x128xf32>
    %add3A_114 = vector.broadcast %broadcast_in_dim3A_113 : vector<1x128xf32> to vector<2048x128xf32>
    %add3A_115 = arith.addf %dot_general3A_110, %add3A_114 : vector<2048x128xf32>
    %mul3A_116 = arith.mulf %concatenate3A, %logistic3A_105 : vector<2048x128xf32>
    %add3A_117 = arith.addf %mul3A_116, %add3A_115 : vector<2048x128xf32>
    %jit3A = arith.constant 0.000000e+00 : f32
    %broadcast_in_dim3A_118 = vector.shape_cast %and3A : vector<2048x1xi1> to vector<2048x1xi1>
    %broadcast_in_dim3A_119 = vector.broadcast %broadcast_in_dim3A_118 : vector<2048x1xi1> to vector<2048x128xi1>
    %broadcast_in_dim3A_120 = vector.broadcast %jit3A : f32 to vector<2048x128xf32>
    %select_n3A = arith.select %broadcast_in_dim3A_119, %broadcast_in_dim3A_120, %add3A_117 : vector<2048x128xi1>, vector<2048x128xf32>
    %jit3A_121 = arith.constant 0.000000e+00 : f32
    %broadcast_in_dim3A_122 = vector.shape_cast %and3A : vector<2048x1xi1> to vector<2048x1xi1>
    %broadcast_in_dim3A_123 = vector.broadcast %broadcast_in_dim3A_122 : vector<2048x1xi1> to vector<2048x128xi1>
    %broadcast_in_dim3A_124 = vector.broadcast %jit3A_121 : f32 to vector<2048x128xf32>
    %select_n3A_125 = arith.select %broadcast_in_dim3A_123, %broadcast_in_dim3A_124, %add3A_90 : vector<2048x128xi1>, vector<2048x128xf32>
    %get3A_126 = arith.constant 0 : index
    %get3A_127 = arith.constant 0 : index
    %get3A_128 = vector.load %arg16[%get3A_126, %get3A_127] : memref<256x128xf32, #tpu.memory_space<vmem>>, vector<128x128xf32>
    %dot_general3A_129 = arith.constant dense<0.000000e+00> : vector<2048x128xf32>
    %dot_general3A_130 = tpu.matmul %select_n3A, %get3A_128, %dot_general3A_129 {dimension_numbers = #tpu.dot_dimension_numbers<[1], [0], [0], [1], [0, 0, 1, 1], [], []>, transpose_lhs_hint = false} : vector<2048x128xf32>, vector<128x128xf32>, vector<2048x128xf32> -> vector<2048x128xf32>
    %get3A_131 = arith.constant 128 : index
    %get3A_132 = arith.constant 0 : index
    %get3A_133 = vector.load %arg16[%get3A_131, %get3A_132] : memref<256x128xf32, #tpu.memory_space<vmem>>, vector<128x128xf32>
    %dot_general3A_134 = arith.constant dense<0.000000e+00> : vector<2048x128xf32>
    %dot_general3A_135 = tpu.matmul %select_n3A_125, %get3A_133, %dot_general3A_134 {dimension_numbers = #tpu.dot_dimension_numbers<[1], [0], [0], [1], [0, 0, 1, 1], [], []>, transpose_lhs_hint = false} : vector<2048x128xf32>, vector<128x128xf32>, vector<2048x128xf32> -> vector<2048x128xf32>
    %add3A_136 = arith.addf %dot_general3A_130, %dot_general3A_135 : vector<2048x128xf32>
    %get3A_137 = arith.constant 0 : index
    %get3A_138 = vector.load %arg17[%get3A_137] : memref<128xf32, #tpu.memory_space<vmem>>, vector<128xf32>
    %broadcast_in_dim3A_139 = vector.shape_cast %get3A_138 : vector<128xf32> to vector<1x128xf32>
    %add3A_140 = vector.broadcast %broadcast_in_dim3A_139 : vector<1x128xf32> to vector<2048x128xf32>
    %add3A_141 = arith.addf %add3A_136, %add3A_140 : vector<2048x128xf32>
    %max3A_142 = arith.constant 0.000000e+00 : f32
    %max3A_143 = vector.broadcast %max3A_142 : f32 to vector<2048x128xf32>
    %max3A_144 = arith.maximumf %add3A_141, %max3A_143 : vector<2048x128xf32>
    %get3A_145 = arith.constant 0 : index
    %get3A_146 = vector.load %arg18[%get3A_145] : memref<128xf32, #tpu.memory_space<vmem>>, vector<128xf32>
    %get3A_147 = arith.constant 0 : index
    %get3A_148 = vector.load %arg19[%get3A_147] : memref<128xf32, #tpu.memory_space<vmem>>, vector<128xf32>
    %reduce_sum3A_149 = arith.constant dense<0.000000e+00> : vector<2048xf32>
    %reduce_sum3A_150 = vector.multi_reduction <add>, %max3A_144, %reduce_sum3A_149 [1] : vector<2048x128xf32> to vector<2048xf32>
    %broadcast_in_dim3A_151 = vector.shape_cast %reduce_sum3A_150 : vector<2048xf32> to vector<2048x1xf32>
    %div3A_152 = arith.constant 1.280000e+02 : f32
    %div3A_153 = vector.broadcast %div3A_152 : f32 to vector<2048x1xf32>
    %div3A_154 = arith.divf %broadcast_in_dim3A_151, %div3A_153 : vector<2048x1xf32>
    %sub3A_155 = vector.broadcast %div3A_154 : vector<2048x1xf32> to vector<2048x128xf32>
    %sub3A_156 = arith.subf %max3A_144, %sub3A_155 : vector<2048x128xf32>
    %integer_pow3A_157 = arith.mulf %sub3A_156, %sub3A_156 : vector<2048x128xf32>
    %reduce_sum3A_158 = arith.constant dense<0.000000e+00> : vector<2048xf32>
    %reduce_sum3A_159 = vector.multi_reduction <add>, %integer_pow3A_157, %reduce_sum3A_158 [1] : vector<2048x128xf32> to vector<2048xf32>
    %broadcast_in_dim3A_160 = vector.shape_cast %reduce_sum3A_159 : vector<2048xf32> to vector<2048x1xf32>
    %div3A_161 = arith.constant 1.280000e+02 : f32
    %div3A_162 = vector.broadcast %div3A_161 : f32 to vector<2048x1xf32>
    %div3A_163 = arith.divf %broadcast_in_dim3A_160, %div3A_162 : vector<2048x1xf32>
    %sub3A_164 = vector.broadcast %div3A_154 : vector<2048x1xf32> to vector<2048x128xf32>
    %sub3A_165 = arith.subf %max3A_144, %sub3A_164 : vector<2048x128xf32>
    %add3A_166 = arith.constant 9.99999974E-6 : f32
    %add3A_167 = vector.broadcast %add3A_166 : f32 to vector<2048x1xf32>
    %add3A_168 = arith.addf %div3A_163, %add3A_167 : vector<2048x1xf32>
    %sqrt3A_169 = math.sqrt %add3A_168 : vector<2048x1xf32>
    %div3A_170 = vector.broadcast %sqrt3A_169 : vector<2048x1xf32> to vector<2048x128xf32>
    %div3A_171 = arith.divf %sub3A_165, %div3A_170 : vector<2048x128xf32>
    %broadcast_in_dim3A_172 = vector.shape_cast %get3A_146 : vector<128xf32> to vector<1x128xf32>
    %mul3A_173 = vector.broadcast %broadcast_in_dim3A_172 : vector<1x128xf32> to vector<2048x128xf32>
    %mul3A_174 = arith.mulf %div3A_171, %mul3A_173 : vector<2048x128xf32>
    %broadcast_in_dim3A_175 = vector.shape_cast %get3A_148 : vector<128xf32> to vector<1x128xf32>
    %add3A_176 = vector.broadcast %broadcast_in_dim3A_175 : vector<1x128xf32> to vector<2048x128xf32>
    %add3A_177 = arith.addf %mul3A_174, %add3A_176 : vector<2048x128xf32>
    %swap3A = arith.constant 0 : index
    %swap3A_178 = arith.constant 0 : index
    %swap3A_179 = vector.load %arg20[%swap3A, %swap3A_178] : memref<2048x128xf32, #tpu.memory_space<vmem>>, vector<2048x128xf32>
    tpu.vector_store %arg20[%swap3A, %swap3A_178], %add3A_177 {strides = array<i32>} : memref<2048x128xf32, #tpu.memory_space<vmem>>, vector<2048x128xf32>,
    return
  }
  func.func @transform_0(%arg0: i32) -> (i32, i32) {
    %c0_i32 = arith.constant 0 : i32
    %c0_i32_0 = arith.constant 0 : i32
    return %arg0, %c0_i32 : i32, i32
  }
  func.func @transform_1(%arg0: i32) -> (i32, i32) {
    %c0_i32 = arith.constant 0 : i32
    %c0_i32_0 = arith.constant 0 : i32
    return %arg0, %c0_i32 : i32, i32
  }
  func.func @transform_2(%arg0: i32) -> (i32, i32) {
    %c0_i32 = arith.constant 0 : i32
    %c0_i32_0 = arith.constant 0 : i32
    return %arg0, %c0_i32 : i32, i32
  }
  func.func @transform_3(%arg0: i32) -> (i32, i32) {
    %c0_i32 = arith.constant 0 : i32
    %c0_i32_0 = arith.constant 0 : i32
    return %arg0, %c0_i32 : i32, i32
  }
  func.func @transform_4(%arg0: i32) -> (i32, i32) {
    %c0_i32 = arith.constant 0 : i32
    %c0_i32_0 = arith.constant 0 : i32
    return %arg0, %c0_i32 : i32, i32
  }
  func.func @transform_5(%arg0: i32) -> i32 {
    %c0_i32 = arith.constant 0 : i32
    %c0_i32_0 = arith.constant 0 : i32
    return %c0_i32 : i32
  }
  func.func @transform_6(%arg0: i32) -> i32 {
    %c0_i32 = arith.constant 0 : i32
    %c0_i32_0 = arith.constant 0 : i32
    return %c0_i32 : i32
  }
  func.func @transform_7(%arg0: i32) -> (i32, i32) {
    %c0_i32 = arith.constant 0 : i32
    %c0_i32_0 = arith.constant 0 : i32
    %c0_i32_1 = arith.constant 0 : i32
    return %c0_i32, %c0_i32_0 : i32, i32
  }
  func.func @transform_8(%arg0: i32) -> i32 {
    %c0_i32 = arith.constant 0 : i32
    %c0_i32_0 = arith.constant 0 : i32
    return %c0_i32 : i32
  }
  func.func @transform_9(%arg0: i32) -> i32 {
    %c0_i32 = arith.constant 0 : i32
    %c0_i32_0 = arith.constant 0 : i32
    return %c0_i32 : i32
  }
  func.func @transform_10(%arg0: i32) -> i32 {
    %c0_i32 = arith.constant 0 : i32
    %c0_i32_0 = arith.constant 0 : i32
    return %c0_i32 : i32
  }
  func.func @transform_11(%arg0: i32) -> (i32, i32) {
    %c0_i32 = arith.constant 0 : i32
    %c0_i32_0 = arith.constant 0 : i32
    %c0_i32_1 = arith.constant 0 : i32
    return %c0_i32, %c0_i32_0 : i32, i32
  }
  func.func @transform_12(%arg0: i32) -> i32 {
    %c0_i32 = arith.constant 0 : i32
    %c0_i32_0 = arith.constant 0 : i32
    return %c0_i32 : i32
  }
  func.func @transform_13(%arg0: i32) -> (i32, i32) {
    %c0_i32 = arith.constant 0 : i32
    %c0_i32_0 = arith.constant 0 : i32
    %c0_i32_1 = arith.constant 0 : i32
    return %c0_i32, %c0_i32_0 : i32, i32
  }
  func.func @transform_14(%arg0: i32) -> i32 {
    %c0_i32 = arith.constant 0 : i32
    %c0_i32_0 = arith.constant 0 : i32
    return %c0_i32 : i32
  }
  func.func @transform_15(%arg0: i32) -> (i32, i32) {
    %c0_i32 = arith.constant 0 : i32
    %c0_i32_0 = arith.constant 0 : i32
    %c0_i32_1 = arith.constant 0 : i32
    return %c0_i32, %c0_i32_0 : i32, i32
  }
  func.func @transform_16(%arg0: i32) -> i32 {
    %c0_i32 = arith.constant 0 : i32
    %c0_i32_0 = arith.constant 0 : i32
    return %c0_i32 : i32
  }
  func.func @transform_17(%arg0: i32) -> i32 {
    %c0_i32 = arith.constant 0 : i32
    %c0_i32_0 = arith.constant 0 : i32
    return %c0_i32 : i32
  }
  func.func @transform_18(%arg0: i32) -> i32 {
    %c0_i32 = arith.constant 0 : i32
    %c0_i32_0 = arith.constant 0 : i32
    return %c0_i32 : i32
  }
  func.func @transform_19(%arg0: i32) -> (i32, i32) {
    %c0_i32 = arith.constant 0 : i32
    %c0_i32_0 = arith.constant 0 : i32
    return %arg0, %c0_i32 : i32, i32
  }
}

</mosaic_0001>

<sc_bundles>
// kernel: kernel.4.cloned.1.call-start
scs
__scs_entry_jumppad:
0x0: {  	(pc) =	sbr.rel $0x88, $3  }
0x1: {  	(tag) =	ssettag $0x0;
	lr =	simm.s32 $0x1  }
0x2: {  	[smem:$0x3F8E] =	sst lr;
	_ =	strace $0xD0000000  }
0x3: {  	_ = 	snop  }
0x4: {  	_ = 	snop  }
0x5: {  	_ = 	snop  }
0x6: {  	_ = 	snop  }
0x7: {  	_ = 	snop  }
__scs_overlays_trampoline_lowered:
0x8: {  	[smem:$0x3F9D] =	sst s0  }
0x9: {  	[smem:$0x3F9E] =	sst s1  }
0xa: {  	[smem:$0x3F9F] =	sst s2  }
0xb: {  	[smem:$0x3FA0] =	sst s3  }
0xc: {  	[smem:$0x3FA1] =	sst s4  }
0xd: {  	[smem:$0x3FA2] =	sst s5  }
0xe: {  	[smem:$0x3FA3] =	sst s6  }
0xf: {  	[smem:$0x3FA4] =	sst s7  }
0x10: {  	[smem:$0x3FA5] =	sst s8  }
0x11: {  	[smem:$0x3FA6] =	sst s9;
	s0 =	simm.s32 @!p0 $0x0  }
0x12: {  	s1 =	sld [smem:$0x3F8C];
	s0 =	simm.s32 @p0 $0x1  }
0x13: {  	[smem:$0x3FA7] =	sst s0;
	s0 =	simm.s32 @!p1 $0x0  }
0x14: {  	s2 =	sld [smem:$0x3F8B];
	s0 =	simm.s32 @p1 $0x1  }
0x15: {  	[smem:$0x3FA8] =	sst s0;
	s0 =	simm.s32 @!p2 $0x0  }
0x16: {  	s3 =	sld [smem:$0x3FDB];
	s0 =	simm.s32 @p2 $0x1  }
0x17: {  	s4 =	simm.s32 $0x1BF5;
	[smem:$0x3FAA] =	sst s0  }
0x18: {  	s0 =	sld [smem:$0x3F8D];
	_ =	swait.ge [sflag:s4], $0x0  }
0x19: {  	s7 =	sld [smem:$0x3F8E]  }
0x1a: {  	s8 =	sadd.s32 $0xFFFFE003, lr  }
0x1b: {  	s9 =	sadd.s32 $0xFFFFFEF7, lr;
	s5 =	simm.s32 $0xFFFFFFFF;
	p2 =	slt.u32 s8, $0xFFFFF086  }
0x1c: {  	p1 =	slt.u32 s9, $0xF7A;
	s5 =	simm.s32 @!p2 $0x0  }
0x1d: {  	s5 =	simm.s32 @p1 $0x1;
	p0 =	seq.s32 s7, s2  }
0x1e: {  	s7 =	smul.u32 @!p0 $0xF7A, s2;
	p2 =	seq.s32 @!p0 s5, $0x0  }
0x1f: {  	s9 =	smul.u32 $0xF7A, s1;
	s8 =	simm.s32 @!p0 $0x1BF5;
	p2 =	por !p2, p0  }
0x20: {  	[sflag:s8] =	ssyncset.s32 @!p0 $0xFFFFF086;
	s6 =	sadd.s32 @!p0 s3, s7;
	s7 =	simm.s32 @!p0 $0x108  }
0x21: {  	s3 =	sadd.s32 s3, s9;
	s6 =	sadd.s32 @!p0 $0x88, s6;
	s7 =	simm.s32 @p2 $0x1082  }
0x22: {  	[simem:s7], [sflag:s8] =	dma.local @!p0 [hbm:s6], $0xF7A  }
0x23: {  	s9 =	sor.u32 $0xD0000000, s2;
	s6 =	simm.s32 $0x108;
	_ =	swait.ge @!p0 [sflag:s8], $0x0  }
0x24: {  	s3 =	sadd.s32 $0x88, s3;
	s6 =	simm.s32 @!p1 $0x1082;
	[sflag:s4] =	ssyncset.s32 $0xFFFFF086  }
0x25: {  	[simem:s6], [sflag:s4] =	dma.local [hbm:s3], $0xF7A  }
0x26: {  	[smem:$0x3F8E] =	sst s1;
	(tag) =	ssettag s2;
	_ =	strace s9  }
0x27: {  	s1 =	sld [smem:$0x3F9E]  }
0x28: {  	s2 =	sld [smem:$0x3F9F]  }
0x29: {  	s4 =	sld [smem:$0x3FA1]  }
0x2a: {  	p0 =	seq.s32 s5, $0x0;
	s5 =	sld [smem:$0x3FA2]  }
0x2b: {  	s6 =	sld [smem:$0x3FA3]  }
0x2c: {  	s7 =	sld [smem:$0x3FA4]  }
0x2d: {  	s3 =	simm.s32 $0x108;
	s8 =	sld [smem:$0x3FA5]  }
0x2e: {  	s3 =	simm.s32 @!p0 $0x1082;
	s9 =	sld [smem:$0x3FA6]  }
0x2f: {  	lr =	sadd.s32 s0, s3;
	s0 =	sld [smem:$0x3F9D]  }
0x30: {  	s3 =	sld [smem:$0x3FA0]  }
0x31: {  	[smem:$0x3FA9] =	sst s10  }
0x32: {  	s10 =	sld [smem:$0x3FA7];
	_ =	sdelay $0x3  }
0x33: {  	p0 =	seq.s32 s10, $0x1;
	s10 =	sld [smem:$0x3FA9];
	_ =	sdelay $0x3  }
0x34: {  	[smem:$0x3FA9] =	sst s10  }
0x35: {  	s10 =	sld [smem:$0x3FA8];
	_ =	sdelay $0x3  }
0x36: {  	p1 =	seq.s32 s10, $0x1;
	s10 =	sld [smem:$0x3FA9];
	_ =	sdelay $0x3  }
0x37: {  	[smem:$0x3FA9] =	sst s10  }
0x38: {  	s10 =	sld [smem:$0x3FAA]  }
0x39: {  	_ = 	snop;
	(pc) =	sbr.ind lr, $3  }
0x3a: {  	_ = 	snop  }
0x3b: {  	_ = 	snop  }
0x3c: {  	p2 =	seq.s32 s10, $0x1;
	s10 =	sld [smem:$0x3FA9]  }
0x3d: {  	_ =	shalt  }
0x3e: {  	_ =	shalt  }
0x3f: {  	_ =	shalt  }
0x40: {  	_ =	shalt  }
0x41: {  	_ =	shalt  }
0x42: {  	_ =	shalt  }
0x43: {  	_ =	shalt  }
0x44: {  	_ =	shalt  }
0x45: {  	_ =	shalt  }
0x46: {  	_ =	shalt  }
0x47: {  	_ =	shalt  }
0x48: {  	_ =	shalt  }
0x49: {  	_ =	shalt  }
0x4a: {  	_ =	shalt  }
0x4b: {  	_ =	shalt  }
0x4c: {  	_ =	shalt  }
0x4d: {  	_ =	shalt  }
0x4e: {  	_ =	shalt  }
0x4f: {  	_ =	shalt  }
0x50: {  	_ =	shalt  }
0x51: {  	_ =	shalt  }
0x52: {  	_ =	shalt  }
0x53: {  	_ =	shalt  }
0x54: {  	_ =	shalt  }
0x55: {  	_ =	shalt  }
0x56: {  	_ =	shalt  }
0x57: {  	_ =	shalt  }
0x58: {  	_ =	shalt  }
0x59: {  	_ =	shalt  }
0x5a: {  	_ =	shalt  }
0x5b: {  	_ =	shalt  }
0x5c: {  	_ =	shalt  }
0x5d: {  	_ =	shalt  }
0x5e: {  	_ =	shalt  }
0x5f: {  	_ =	shalt  }
0x60: {  	_ =	shalt  }
0x61: {  	_ =	shalt  }
0x62: {  	_ =	shalt  }
0x63: {  	_ =	shalt  }
0x64: {  	_ =	shalt  }
0x65: {  	_ =	shalt  }
0x66: {  	_ =	shalt  }
0x67: {  	_ =	shalt  }
0x68: {  	_ =	shalt  }
0x69: {  	_ =	shalt  }
0x6a: {  	_ =	shalt  }
0x6b: {  	_ =	shalt  }
0x6c: {  	_ =	shalt  }
0x6d: {  	_ =	shalt  }
0x6e: {  	_ =	shalt  }
0x6f: {  	_ =	shalt  }
0x70: {  	_ =	shalt  }
0x71: {  	_ =	shalt  }
0x72: {  	_ =	shalt  }
0x73: {  	_ =	shalt  }
0x74: {  	_ =	shalt  }
0x75: {  	_ =	shalt  }
0x76: {  	_ =	shalt  }
0x77: {  	_ =	shalt  }
0x78: {  	_ =	shalt  }
0x79: {  	_ =	shalt  }
0x7a: {  	_ =	shalt  }
0x7b: {  	_ =	shalt  }
0x7c: {  	_ =	shalt  }
0x7d: {  	_ =	shalt  }
0x7e: {  	_ =	shalt  }
0x7f: {  	_ =	shalt  }
0x80: {  	_ =	shalt  }
0x81: {  	_ =	shalt  }
0x82: {  	_ =	shalt  }
0x83: {  	_ =	shalt  }
0x84: {  	_ =	shalt  }
0x85: {  	_ =	shalt  }
0x86: {  	_ =	shalt  }
0x87: {  	_ =	shalt  }
.Lfunc_end0:
.L_simem_size_0:
called_computation_lowered:
.L_overlay_start_0:
0x88: {  	s2 =	sld [smem:$0x3FD9]  }
0x89: {  	s3 =	sld [smem:$0x3FFE];
	_ =	sdelay $0x1  }
0x8a: {  	s1 =	srdreg.scid  }
0x8b: {  	s0 =	sand.u32 $0x1, s1  }
0x8c: {  	s17 =	sshll.u32 s0, $0xA;
	s2 =	sadd.s32 s3, s2  }
0x8d: {  	s2 =	sadd.s32 s2, s17  }
0x8e: {  	[smem:$0x3FB5] =	sst s2  }
0x8f: {  	_ = 	snop  }
0x90: {  	s2 =	sld [smem:$0x3FC9]  }
0x91: {  	s18 =	sld [smem:$0x3FC8]  }
0x92: {  	s4 =	sld [smem:$0x3FD0];
	(tm) =	ssettm $0x1  }
0x93: {  	s5 =	sld [smem:$0x3FFB];
	_ =	sdelay $0x3  }
0x94: {  	_ =	strace s5  }
0x95: {  	s5 =	sld [smem:$0x3FFC];
	_ =	sdelay $0x3  }
0x96: {  	_ =	strace s5  }
0x97: {  	s5 =	sld [smem:$0x3FFD];
	_ =	sdelay $0x3  }
0x98: {  	_ =	strace s5  }
0x99: {  	_ =	strace $0x8FFFFFFF  }
0x9a: {  	s19 =	sld [smem:$0x3FDB];
	_ =	sdelay $0x1  }
0x9b: {  	s6 =	simm.s32 $_scs_section_size  }
0x9c: {  	s7 =	simm.s32 $_size__tile_overlayer_lowered;
	s8 =	simm.s32 $_tile_overlayer_lowered  }
0x9d: {  	s22 =	simm.s32 $0x1BFF;
	s21 =	sshll.u32 s8, $0x1;
	s5 =	sadd.s32 s6, s19  }
0x9e: {  	s9 =	simm.s32 $0x0;
	s20 =	sshll.u32 s7, $0x1;
	s7 =	sadd.s32 s21, s5  }
0x9f: {  	[timem:s9], [sflag:s22] =	dma.local [hbm:s7], s20  }
0xa0: {  	_ =	swait.ge [sflag:s22], s20  }
0xa1: {  	s6 =	ssub.s32 $0x0, s20;
	[sflag:s22] =	ssyncset.done $0x0  }
0xa2: {  	[sflag:s22] =	ssyncadd.s32 s6;
	_ =	sdelay $0x1  }
0xa3: {  	s23 =	simm.s32 $0x1B8B  }
0xa4: {  	_ =	swait.ge [sflag:s23], $0x1  }
0xa5: {  	[sflag:s23] =	ssyncset.done $0x0  }
0xa6: {  	s25 =	simm.s32 $0x1B8E;
	s24 =	sld [smem:$0x3FFE];
	[sflag:s23] =	ssyncadd.s32 $0xFFFFFFFF  }
0xa7: {  	s26 =	simm.s32 $execute0_lowered;
	[smem:$0x3FD2] =	sst s25  }
0xa8: {  	s7 =	sshll.u32 s26, $0x1;
	_ =	strace $0x80000046;
	[dreg:$0x1] =	wrdreg $0xFFFFFFFF  }
0xa9: {  	s28 =	simm.s32 $_size_execute0_lowered;
	s5 =	sadd.s32 s5, s7;
	[dreg:$0x0] =	wrdreg $0x0  }
0xaa: {  	s7 =	sshll.u32 s28, $0x1;
	[dreg:$0x2] =	wrdreg s5  }
0xab: {  	[dreg:$0x3] =	wrdreg s7  }
0xac: {  	[dreg:$0x4] =	wrdreg $0xC0  }
0xad: {  	_ =	task [dreg:s9], $0x5FFFF  }
0xae: {  	[dreg:$0x1] =	wrdreg $0xFFFFFFFF  }
0xaf: {  	[dreg:$0x0] =	wrdreg $0x60  }
0xb0: {  	[dreg:$0x2] =	wrdreg s24  }
0xb1: {  	[dreg:$0x3] =	wrdreg s2  }
0xb2: {  	[dreg:$0x4] =	wrdreg s18  }
0xb3: {  	[dreg:$0x5] =	wrdreg s4  }
0xb4: {  	[dreg:$0x6] =	wrdreg $0x9  }
0xb5: {  	_ =	task.clear_ibuf [dreg:s9], $0x7FFFF;
	_ =	strace $0x90000046  }
0xb6: {  	s29 =	simm.s32 $0x9;
	_ =	strace $0x80000048  }
0xb7: {  	_ =	swait.ge [sflag:s29], $0x1  }
0xb8: {  	[sflag:s29] =	ssyncadd.s32 $0xFFFFFFFF  }
0xb9: {  	_ =	strace $0x90000048  }
0xba: {  	_ =	sfence  }
0xbb: {  	s30 =	sld [smem:$0x0];
	_ =	sdelay $0x2  }
0xbc: {  	s31 =	sshll.u32 s1, $0xD;
	s1 =	sshrl.u32 s1, $0x2  }
0xbd: {  	s3 =	sand.u32 $0x4000, s31;
	s1 =	sadd.s32 s1, s30  }
0xbe: {  	s0 =	sor.u32 s3, s0;
	s1 =	sshll.u32 s1, $0x11  }
0xbf: {  	s0 =	sor.u32 s1, s0  }
0xc0: {  	s0 =	sadd.s32 $0x8F2B, s0  }
0xc1: {  	[sflag:s0] =	ssyncadd.remote.s32 $0x1  }
0xc2: {  	_ =	sfence.sel $0xFFFF  }
0xc3: {  	[dreg:$0x0] =	wrdreg $0xFFFFFFFF;
	(pc) =	sbr.abs _section_cstart, $3  }
0xc4: {  	[dreg:$0x1] =	wrdreg $0xFFFFFFFF  }
0xc5: {  	_ =	task.clear_ibuf [dreg:s9], $0x2FFFF;
	_ =	strace $0x9FFFFFFF  }
0xc6: {  	(tm) =	ssettm $0x7FFFFFFF  }
0xc7: {  	_ =	shalt  }
tec
execute0_lowered:
.L_overlay_start_1:
0x0: {  	(tag) =	ssettag $0x1  }
0x1: {  	s0 =	rddreg [dreg:$0x0]  }
0x2: {  	s5 =	rddreg [dreg:$0x1]  }
0x3: {  	s6 =	rddreg [dreg:$0x2]  }
0x4: {  	s8 =	rddreg [dreg:$0x3];
	s3 =	srdreg.scid;
	s2 =	simm.s32 $0x0  }
0x5: {  	s1 =	stileid.u32;
	s29 =	simm.s32 $0x5;
	s28 =	simm.s32 $0x200  }
0x6: {  	s18 =	simm.s32 $0x80;
	s13 =	simm.s32 $0x400;
	s14 =	simm.s32 $0x4400  }
0x7: {  	s30 =	simm.s32 $0x280;
	s12 =	simm.s32 $0x6400;
	s19 =	simm.s32 $0x1  }
0x8: {  	p0 =	por $0x0, $0x0;
	s17 =	simm.s32 $0x2;
	s7 =	sand.u32 $0x1, s3  }
0x9: {  	[smem:$0x7FF] =	sst s2;
	s4 =	sshll.u32 s1, $0xA;
	s3 =	sadd.s32 $0x24E800, s0  }
0xa: {  	s9 =	sshll.u32 s7, $0x9;
	_ =	strace $0x80000047;
	s7 =	ssub.s32 $0x2, s7  }
0xb: {  	s9 =	sor.u32 s9, s4;
	s4 =	sadd.s32 $0x18B200, s0;
	s11 =	sshrl.u32 s7, $0x1  }
0xc: {  	s0 =	sadd.s32 $0x4800, s0;
	s10 =	sshrl.u32 s9, $0x3;
	s11 =	ssub.s32 s7, s11  }
0xd: {  	s22 =	sshll.u32 s9, $0x3;
	s5 =	sadd.s32 s5, s10;
	s24 =	sadd.s32 s6, s10  }
0xe: {  	s20 =	sadd.s32 s8, s22;
	s23 =	sor.u32 $0x400, s22;
	s21 =	sadd.s32 s0, s22  }
0xf: {  	s9 =	sor.u32 $0x800, s22;
	s25 =	sor.u32 $0xC00, s22;
	s26 =	smax.u32 s11, $0x1  }
0x10: {  	s11 =	simm.s32 $0x2400;
	s10 =	simm.s32 $0x4;
	p1 =	sne.s32 s26, $0x1  }
.Ltmp0:
0x11: {  	s22 =	simm.s32 $0x180;
	[dreg:$0x5] =	wrdreg s5;
	(pc) =	sbr.rel @!p1 .LBB2_3-.Ltmp0, $4  }
0x12: {  	s15 =	sadd.s32 s8, s23;
	s16 =	sadd.s32 s0, s23;
	s7 =	sadd.s32 s8, s9  }
0x13: {  	s9 =	sadd.s32 s0, s9;
	s5 =	sadd.s32 s8, s25;
	s6 =	sadd.s32 s0, s25  }
0x14: {  	s8 =	simm.s32 $0x3;
	s25 =	simm.s32 $0x100;
	s31 =	sadd.s32 $0xFFFFFFFF, s26  }
0x15: {  	s26 =	simm.s32 $0x300;
	s23 =	simm.s32 $0x380;
	s0 =	rddreg [dreg:$0x5]  }
0x16: {  	[tilespmem:s2], [sflag:$0x5] =	stream.linear.gather [hbm4b:s0+s2], $0x200, $0x38;
	[tilespmem:$0x8400] =	vst v63  }
0x17: {  	_ =	swait.ge [sflag:s29], $0x200  }
0x18: {  	[sflag:s29] =	ssyncset.done $0x0  }
0x19: {  	[sflag:s29] =	ssyncadd.s32 $0xFFFFFE00  }
0x1a: {  	[tilespmem:s28], [sflag:$0x5] =	stream.linear.gather [hbm4b:s24+s2], $0x200, $0x38;
	[tilespmem:$0x8400] =	vst v63  }
0x1b: {  	_ =	swait.ge [sflag:s29], $0x200  }
0x1c: {  	[sflag:s29] =	ssyncset.done $0x0  }
0x1d: {  	[sflag:s29] =	ssyncadd.s32 $0xFFFFFE00  }
0x1e: {  	[tilespmem:s13], [sflag:$0x1] =	stream.indirect.gather [hbm4b:s3+s18], $0x40, s2, s18, $0xb8;
	[tilespmem:$0x8400] =	vst v63  }
0x1f: {  	_ = 	snop  }
0x20: {  	[tilespmem:s14], [sflag:$0x1] =	stream.indirect.gather [hbm4b:s4+s18], $0x40, s28, s18, $0xb8;
	[tilespmem:$0x8400] =	vst v63  }
0x21: {  	_ = 	snop  }
0x22: {  	[tilespmem:s11], [sflag:$0x2] =	stream.indirect.gather [hbm4b:s3+s18], $0x40, s18, s18, $0xb8;
	[tilespmem:$0x8400] =	vst v63  }
0x23: {  	_ = 	snop  }
0x24: {  	[tilespmem:s12], [sflag:$0x2] =	stream.indirect.gather [hbm4b:s4+s18], $0x40, s30, s18, $0xb8;
	[tilespmem:$0x8400] =	vst v63  }
0x25: {  	_ =	swait.ge [sflag:s19], $0x2000  }
0x26: {  	[sflag:s19] =	ssyncset.done $0x0  }
0x27: {  	[sflag:s19] =	ssyncadd.s32 $0xFFFFE000  }
0x28: {  	_ =	swait.ge [sflag:s19], $0x2000  }
0x29: {  	[sflag:s19] =	ssyncset.done $0x0  }
0x2a: {  	[sflag:s19] =	ssyncadd.s32 $0xFFFFE000  }
0x2b: {  	[hbm4b:s20+s2] =	stream.linear.scatter [tilespmem:s13], [sflag:$0x3], $0x2000, $0x38;
	[tilespmem:$0x8400] =	vst v63  }
0x2c: {  	_ = 	snop  }
0x2d: {  	[hbm4b:s21+s2] =	stream.linear.scatter [tilespmem:s14], [sflag:$0x3], $0x2000, $0x38;
	[tilespmem:$0x8400] =	vst v63  }
0x2e: {  	_ =	swait.ge [sflag:s8], $0x2000  }
0x2f: {  	[sflag:s8] =	ssyncset.done $0x0  }
0x30: {  	[sflag:s8] =	ssyncadd.s32 $0xFFFFE000  }
0x31: {  	_ =	swait.ge [sflag:s8], $0x2000  }
0x32: {  	[sflag:s8] =	ssyncset.done $0x0  }
0x33: {  	[sflag:s8] =	ssyncadd.s32 $0xFFFFE000  }
0x34: {  	[tilespmem:s13], [sflag:$0x1] =	stream.indirect.gather [hbm4b:s3+s18], $0x40, s25, s18, $0xb8;
	[tilespmem:$0x8400] =	vst v63  }
0x35: {  	_ = 	snop  }
0x36: {  	[tilespmem:s14], [sflag:$0x1] =	stream.indirect.gather [hbm4b:s4+s18], $0x40, s26, s18, $0xb8;
	[tilespmem:$0x8400] =	vst v63  }
0x37: {  	_ =	swait.ge [sflag:s17], $0x2000  }
0x38: {  	[sflag:s17] =	ssyncset.done $0x0  }
0x39: {  	[sflag:s17] =	ssyncadd.s32 $0xFFFFE000  }
0x3a: {  	_ =	swait.ge [sflag:s17], $0x2000  }
0x3b: {  	[sflag:s17] =	ssyncset.done $0x0  }
0x3c: {  	[sflag:s17] =	ssyncadd.s32 $0xFFFFE000  }
0x3d: {  	[hbm4b:s15+s2] =	stream.linear.scatter [tilespmem:s11], [sflag:$0x4], $0x2000, $0x38;
	[tilespmem:$0x8400] =	vst v63  }
0x3e: {  	_ = 	snop  }
0x3f: {  	[hbm4b:s16+s2] =	stream.linear.scatter [tilespmem:s12], [sflag:$0x4], $0x2000, $0x38;
	[tilespmem:$0x8400] =	vst v63  }
0x40: {  	_ =	swait.ge [sflag:s10], $0x2000  }
0x41: {  	[sflag:s10] =	ssyncset.done $0x0  }
0x42: {  	[sflag:s10] =	ssyncadd.s32 $0xFFFFE000  }
0x43: {  	_ =	swait.ge [sflag:s10], $0x2000  }
0x44: {  	[sflag:s10] =	ssyncset.done $0x0  }
0x45: {  	[sflag:s10] =	ssyncadd.s32 $0xFFFFE000  }
0x46: {  	[tilespmem:s11], [sflag:$0x2] =	stream.indirect.gather [hbm4b:s3+s18], $0x40, s22, s18, $0xb8;
	[tilespmem:$0x8400] =	vst v63  }
0x47: {  	_ = 	snop  }
0x48: {  	[tilespmem:s12], [sflag:$0x2] =	stream.indirect.gather [hbm4b:s4+s18], $0x40, s23, s18, $0xb8;
	[tilespmem:$0x8400] =	vst v63  }
0x49: {  	_ =	swait.ge [sflag:s19], $0x2000  }
0x4a: {  	[sflag:s19] =	ssyncset.done $0x0  }
0x4b: {  	[sflag:s19] =	ssyncadd.s32 $0xFFFFE000  }
0x4c: {  	_ =	swait.ge [sflag:s19], $0x2000  }
0x4d: {  	[sflag:s19] =	ssyncset.done $0x0  }
0x4e: {  	[sflag:s19] =	ssyncadd.s32 $0xFFFFE000  }
0x4f: {  	[hbm4b:s7+s2] =	stream.linear.scatter [tilespmem:s13], [sflag:$0x3], $0x2000, $0x38;
	[tilespmem:$0x8400] =	vst v63  }
0x50: {  	_ = 	snop  }
0x51: {  	[hbm4b:s9+s2] =	stream.linear.scatter [tilespmem:s14], [sflag:$0x3], $0x2000, $0x38;
	[tilespmem:$0x8400] =	vst v63  }
0x52: {  	_ =	swait.ge [sflag:s17], $0x2000  }
0x53: {  	[sflag:s17] =	ssyncset.done $0x0  }
0x54: {  	[sflag:s17] =	ssyncadd.s32 $0xFFFFE000  }
0x55: {  	_ =	swait.ge [sflag:s17], $0x2000  }
0x56: {  	[sflag:s17] =	ssyncset.done $0x0  }
0x57: {  	[sflag:s17] =	ssyncadd.s32 $0xFFFFE000  }
0x58: {  	[hbm4b:s5+s2] =	stream.linear.scatter [tilespmem:s11], [sflag:$0x4], $0x2000, $0x38;
	[tilespmem:$0x8400] =	vst v63  }
0x59: {  	_ = 	snop  }
0x5a: {  	[hbm4b:s6+s2] =	stream.linear.scatter [tilespmem:s12], [sflag:$0x4], $0x2000, $0x38;
	[tilespmem:$0x8400] =	vst v63  }
0x5b: {  	_ =	swait.ge [sflag:s8], $0x2000  }
0x5c: {  	[sflag:s8] =	ssyncset.done $0x0  }
0x5d: {  	[sflag:s8] =	ssyncadd.s32 $0xFFFFE000  }
0x5e: {  	_ =	swait.ge [sflag:s8], $0x2000  }
0x5f: {  	[sflag:s8] =	ssyncset.done $0x0  }
0x60: {  	p1 =	sne.s32 s31, $0x1;
	[sflag:s8] =	ssyncadd.s32 $0xFFFFE000  }
.Ltmp1:
0x61: {  	_ =	swait.ge [sflag:s10], $0x2000;
	(pc) =	sbr.rel @!p1 .LBB2_3-.Ltmp1, $4  }
0x62: {  	[sflag:s10] =	ssyncset.done $0x0  }
0x63: {  	[sflag:s10] =	ssyncadd.s32 $0xFFFFE000  }
0x64: {  	s31 =	sadd.s32 $0xFFFFFFFF, s31;
	_ =	swait.ge [sflag:s10], $0x2000  }
0x65: {  	p0 =	por $0x1, $0x1;
	s0 =	rddreg [dreg:$0x5];
	[sflag:s10] =	ssyncset.done $0x0  }
.LBB2_2:
0x66: {  	[sflag:s10] =	ssyncadd.s32 $0xFFFFE000  }
0x67: {  	[tilespmem:s2], [sflag:$0x5] =	stream.linear.gather [hbm4b:s0+s2], $0x200, $0x38;
	[tilespmem:$0x8400] =	vst v63  }
0x68: {  	_ =	swait.ge [sflag:s29], $0x200  }
0x69: {  	[sflag:s29] =	ssyncset.done $0x0  }
0x6a: {  	[sflag:s29] =	ssyncadd.s32 $0xFFFFFE00  }
0x6b: {  	[tilespmem:s28], [sflag:$0x5] =	stream.linear.gather [hbm4b:s24+s2], $0x200, $0x38;
	[tilespmem:$0x8400] =	vst v63  }
0x6c: {  	_ =	swait.ge [sflag:s29], $0x200  }
0x6d: {  	[sflag:s29] =	ssyncset.done $0x0  }
0x6e: {  	[sflag:s29] =	ssyncadd.s32 $0xFFFFFE00  }
0x6f: {  	[tilespmem:s13], [sflag:$0x1] =	stream.indirect.gather [hbm4b:s3+s18], $0x40, s2, s18, $0xb8;
	[tilespmem:$0x8400] =	vst v63  }
0x70: {  	_ = 	snop  }
0x71: {  	[tilespmem:s14], [sflag:$0x1] =	stream.indirect.gather [hbm4b:s4+s18], $0x40, s28, s18, $0xb8;
	[tilespmem:$0x8400] =	vst v63  }
0x72: {  	_ = 	snop  }
0x73: {  	[tilespmem:s11], [sflag:$0x2] =	stream.indirect.gather [hbm4b:s3+s18], $0x40, s18, s18, $0xb8;
	[tilespmem:$0x8400] =	vst v63  }
0x74: {  	_ = 	snop  }
0x75: {  	[tilespmem:s12], [sflag:$0x2] =	stream.indirect.gather [hbm4b:s4+s18], $0x40, s30, s18, $0xb8;
	[tilespmem:$0x8400] =	vst v63  }
0x76: {  	_ =	swait.ge [sflag:s19], $0x2000  }
0x77: {  	[sflag:s19] =	ssyncset.done $0x0  }
0x78: {  	[sflag:s19] =	ssyncadd.s32 $0xFFFFE000  }
0x79: {  	_ =	swait.ge [sflag:s19], $0x2000  }
0x7a: {  	[sflag:s19] =	ssyncset.done $0x0  }
0x7b: {  	[sflag:s19] =	ssyncadd.s32 $0xFFFFE000  }
0x7c: {  	[hbm4b:s20+s2] =	stream.linear.scatter [tilespmem:s13], [sflag:$0x3], $0x2000, $0x38;
	[tilespmem:$0x8400] =	vst v63  }
0x7d: {  	_ = 	snop  }
0x7e: {  	[hbm4b:s21+s2] =	stream.linear.scatter [tilespmem:s14], [sflag:$0x3], $0x2000, $0x38;
	[tilespmem:$0x8400] =	vst v63  }
0x7f: {  	_ =	swait.ge [sflag:s8], $0x2000  }
0x80: {  	[sflag:s8] =	ssyncset.done $0x0  }
0x81: {  	[sflag:s8] =	ssyncadd.s32 $0xFFFFE000  }
0x82: {  	_ =	swait.ge [sflag:s8], $0x2000  }
0x83: {  	[sflag:s8] =	ssyncset.done $0x0  }
0x84: {  	[sflag:s8] =	ssyncadd.s32 $0xFFFFE000  }
0x85: {  	[tilespmem:s13], [sflag:$0x1] =	stream.indirect.gather [hbm4b:s3+s18], $0x40, s25, s18, $0xb8;
	[tilespmem:$0x8400] =	vst v63  }
0x86: {  	_ = 	snop  }
0x87: {  	[tilespmem:s14], [sflag:$0x1] =	stream.indirect.gather [hbm4b:s4+s18], $0x40, s26, s18, $0xb8;
	[tilespmem:$0x8400] =	vst v63  }
0x88: {  	_ =	swait.ge [sflag:s17], $0x2000  }
0x89: {  	[sflag:s17] =	ssyncset.done $0x0  }
0x8a: {  	[sflag:s17] =	ssyncadd.s32 $0xFFFFE000  }
0x8b: {  	_ =	swait.ge [sflag:s17], $0x2000  }
0x8c: {  	[sflag:s17] =	ssyncset.done $0x0  }
0x8d: {  	[sflag:s17] =	ssyncadd.s32 $0xFFFFE000  }
0x8e: {  	[hbm4b:s15+s2] =	stream.linear.scatter [tilespmem:s11], [sflag:$0x4], $0x2000, $0x38;
	[tilespmem:$0x8400] =	vst v63  }
0x8f: {  	_ = 	snop  }
0x90: {  	[hbm4b:s16+s2] =	stream.linear.scatter [tilespmem:s12], [sflag:$0x4], $0x2000, $0x38;
	[tilespmem:$0x8400] =	vst v63  }
0x91: {  	_ =	swait.ge [sflag:s10], $0x2000  }
0x92: {  	[sflag:s10] =	ssyncset.done $0x0  }
0x93: {  	[sflag:s10] =	ssyncadd.s32 $0xFFFFE000  }
0x94: {  	_ =	swait.ge [sflag:s10], $0x2000  }
0x95: {  	[sflag:s10] =	ssyncset.done $0x0  }
0x96: {  	[sflag:s10] =	ssyncadd.s32 $0xFFFFE000  }
0x97: {  	[tilespmem:s11], [sflag:$0x2] =	stream.indirect.gather [hbm4b:s3+s18], $0x40, s22, s18, $0xb8;
	[tilespmem:$0x8400] =	vst v63  }
0x98: {  	_ = 	snop  }
0x99: {  	[tilespmem:s12], [sflag:$0x2] =	stream.indirect.gather [hbm4b:s4+s18], $0x40, s23, s18, $0xb8;
	[tilespmem:$0x8400] =	vst v63  }
0x9a: {  	_ =	swait.ge [sflag:s19], $0x2000  }
0x9b: {  	[sflag:s19] =	ssyncset.done $0x0  }
0x9c: {  	[sflag:s19] =	ssyncadd.s32 $0xFFFFE000  }
0x9d: {  	_ =	swait.ge [sflag:s19], $0x2000  }
0x9e: {  	[sflag:s19] =	ssyncset.done $0x0  }
0x9f: {  	[sflag:s19] =	ssyncadd.s32 $0xFFFFE000  }
0xa0: {  	[hbm4b:s7+s2] =	stream.linear.scatter [tilespmem:s13], [sflag:$0x3], $0x2000, $0x38;
	[tilespmem:$0x8400] =	vst v63  }
0xa1: {  	_ = 	snop  }
0xa2: {  	[hbm4b:s9+s2] =	stream.linear.scatter [tilespmem:s14], [sflag:$0x3], $0x2000, $0x38;
	[tilespmem:$0x8400] =	vst v63  }
0xa3: {  	_ =	swait.ge [sflag:s17], $0x2000  }
0xa4: {  	[sflag:s17] =	ssyncset.done $0x0  }
0xa5: {  	[sflag:s17] =	ssyncadd.s32 $0xFFFFE000  }
0xa6: {  	_ =	swait.ge [sflag:s17], $0x2000  }
0xa7: {  	[sflag:s17] =	ssyncset.done $0x0  }
0xa8: {  	[sflag:s17] =	ssyncadd.s32 $0xFFFFE000  }
0xa9: {  	[hbm4b:s5+s2] =	stream.linear.scatter [tilespmem:s11], [sflag:$0x4], $0x2000, $0x38;
	[tilespmem:$0x8400] =	vst v63  }
0xaa: {  	_ = 	snop  }
0xab: {  	[hbm4b:s6+s2] =	stream.linear.scatter [tilespmem:s12], [sflag:$0x4], $0x2000, $0x38;
	[tilespmem:$0x8400] =	vst v63  }
0xac: {  	_ =	swait.ge [sflag:s8], $0x2000  }
0xad: {  	[sflag:s8] =	ssyncset.done $0x0  }
0xae: {  	[sflag:s8] =	ssyncadd.s32 $0xFFFFE000  }
0xaf: {  	_ =	swait.ge [sflag:s8], $0x2000  }
0xb0: {  	[sflag:s8] =	ssyncset.done $0x0  }
0xb1: {  	p1 =	sne.s32 s31, $0x1;
	[sflag:s8] =	ssyncadd.s32 $0xFFFFE000  }
.Ltmp2:
0xb2: {  	_ =	swait.ge [sflag:s10], $0x2000;
	(pc) =	sbr.rel @p1 .LBB2_2-.Ltmp2, $4  }
0xb3: {  	[sflag:s10] =	ssyncset.done $0x0  }
0xb4: {  	[sflag:s10] =	ssyncadd.s32 $0xFFFFE000  }
0xb5: {  	_ =	swait.ge [sflag:s10], $0x2000  }
0xb6: {  	s31 =	sadd.s32 $0xFFFFFFFF, s31;
	s0 =	rddreg [dreg:$0x5];
	[sflag:s10] =	ssyncset.done $0x0  }
.LBB2_3:
0xb7: {  	[sflag:s10] =	ssyncadd.s32 @p0 $0xFFFFE000  }
0xb8: {  	[tilespmem:s2], [sflag:$0x5] =	stream.linear.gather [hbm4b:s0+s2], $0x200, $0x38;
	[tilespmem:$0x8400] =	vst v63  }
0xb9: {  	_ =	swait.ge [sflag:s29], $0x200  }
0xba: {  	[sflag:s29] =	ssyncset.done $0x0  }
0xbb: {  	[sflag:s29] =	ssyncadd.s32 $0xFFFFFE00  }
0xbc: {  	[tilespmem:s28], [sflag:$0x5] =	stream.linear.gather [hbm4b:s24+s2], $0x200, $0x38;
	[tilespmem:$0x8400] =	vst v63  }
0xbd: {  	_ =	swait.ge [sflag:s29], $0x200  }
0xbe: {  	[sflag:s29] =	ssyncset.done $0x0  }
0xbf: {  	[sflag:s29] =	ssyncadd.s32 $0xFFFFFE00  }
0xc0: {  	[tilespmem:s13], [sflag:$0x1] =	stream.indirect.gather [hbm4b:s3+s18], $0x40, s2, s18, $0xb8;
	[tilespmem:$0x8400] =	vst v63  }
0xc1: {  	_ = 	snop  }
0xc2: {  	[tilespmem:s14], [sflag:$0x1] =	stream.indirect.gather [hbm4b:s4+s18], $0x40, s28, s18, $0xb8;
	[tilespmem:$0x8400] =	vst v63  }
0xc3: {  	_ = 	snop  }
0xc4: {  	[tilespmem:s11], [sflag:$0x2] =	stream.indirect.gather [hbm4b:s3+s18], $0x40, s18, s18, $0xb8;
	[tilespmem:$0x8400] =	vst v63  }
0xc5: {  	_ = 	snop  }
0xc6: {  	[tilespmem:s12], [sflag:$0x2] =	stream.indirect.gather [hbm4b:s4+s18], $0x40, s30, s18, $0xb8;
	[tilespmem:$0x8400] =	vst v63  }
0xc7: {  	_ =	swait.ge [sflag:s19], $0x2000  }
0xc8: {  	[sflag:s19] =	ssyncset.done $0x0  }
0xc9: {  	[sflag:s19] =	ssyncadd.s32 $0xFFFFE000  }
0xca: {  	_ =	swait.ge [sflag:s19], $0x2000  }
0xcb: {  	[sflag:s19] =	ssyncset.done $0x0  }
0xcc: {  	[sflag:s19] =	ssyncadd.s32 $0xFFFFE000  }
0xcd: {  	[hbm4b:s20+s2] =	stream.linear.scatter [tilespmem:s13], [sflag:$0x3], $0x2000, $0x38;
	[tilespmem:$0x8400] =	vst v63  }
0xce: {  	_ = 	snop  }
0xcf: {  	[hbm4b:s21+s2] =	stream.linear.scatter [tilespmem:s14], [sflag:$0x3], $0x2000, $0x38;
	[tilespmem:$0x8400] =	vst v63  }
0xd0: {  	_ =	swait.ge [sflag:s8], $0x2000  }
0xd1: {  	[sflag:s8] =	ssyncset.done $0x0  }
0xd2: {  	[sflag:s8] =	ssyncadd.s32 $0xFFFFE000  }
0xd3: {  	_ =	swait.ge [sflag:s8], $0x2000  }
0xd4: {  	[sflag:s8] =	ssyncset.done $0x0  }
0xd5: {  	[sflag:s8] =	ssyncadd.s32 $0xFFFFE000  }
0xd6: {  	[tilespmem:s13], [sflag:$0x1] =	stream.indirect.gather [hbm4b:s3+s18], $0x40, s25, s18, $0xb8;
	[tilespmem:$0x8400] =	vst v63  }
0xd7: {  	_ = 	snop  }
0xd8: {  	[tilespmem:s14], [sflag:$0x1] =	stream.indirect.gather [hbm4b:s4+s18], $0x40, s26, s18, $0xb8;
	[tilespmem:$0x8400] =	vst v63  }
0xd9: {  	_ =	swait.ge [sflag:s17], $0x2000  }
0xda: {  	[sflag:s17] =	ssyncset.done $0x0  }
0xdb: {  	[sflag:s17] =	ssyncadd.s32 $0xFFFFE000  }
0xdc: {  	_ =	swait.ge [sflag:s17], $0x2000  }
0xdd: {  	[sflag:s17] =	ssyncset.done $0x0  }
0xde: {  	[sflag:s17] =	ssyncadd.s32 $0xFFFFE000  }
0xdf: {  	[hbm4b:s15+s2] =	stream.linear.scatter [tilespmem:s11], [sflag:$0x4], $0x2000, $0x38;
	[tilespmem:$0x8400] =	vst v63  }
0xe0: {  	_ = 	snop  }
0xe1: {  	[hbm4b:s16+s2] =	stream.linear.scatter [tilespmem:s12], [sflag:$0x4], $0x2000, $0x38;
	[tilespmem:$0x8400] =	vst v63  }
0xe2: {  	_ =	swait.ge [sflag:s10], $0x2000  }
0xe3: {  	[sflag:s10] =	ssyncset.done $0x0  }
0xe4: {  	[sflag:s10] =	ssyncadd.s32 $0xFFFFE000  }
0xe5: {  	_ =	swait.ge [sflag:s10], $0x2000  }
0xe6: {  	[sflag:s10] =	ssyncset.done $0x0  }
0xe7: {  	[sflag:s10] =	ssyncadd.s32 $0xFFFFE000  }
0xe8: {  	[tilespmem:s11], [sflag:$0x2] =	stream.indirect.gather [hbm4b:s3+s18], $0x40, s22, s18, $0xb8;
	[tilespmem:$0x8400] =	vst v63  }
0xe9: {  	_ = 	snop  }
0xea: {  	[tilespmem:s12], [sflag:$0x2] =	stream.indirect.gather [hbm4b:s4+s18], $0x40, s23, s18, $0xb8;
	[tilespmem:$0x8400] =	vst v63  }
0xeb: {  	_ =	swait.ge [sflag:s19], $0x2000  }
0xec: {  	[sflag:s19] =	ssyncset.done $0x0  }
0xed: {  	[sflag:s19] =	ssyncadd.s32 $0xFFFFE000  }
0xee: {  	_ =	swait.ge [sflag:s19], $0x2000  }
0xef: {  	[sflag:s19] =	ssyncset.done $0x0  }
0xf0: {  	[sflag:s19] =	ssyncadd.s32 $0xFFFFE000  }
0xf1: {  	[hbm4b:s7+s2] =	stream.linear.scatter [tilespmem:s13], [sflag:$0x3], $0x2000, $0x38;
	[tilespmem:$0x8400] =	vst v63  }
0xf2: {  	_ = 	snop  }
0xf3: {  	[hbm4b:s9+s2] =	stream.linear.scatter [tilespmem:s14], [sflag:$0x3], $0x2000, $0x38;
	[tilespmem:$0x8400] =	vst v63  }
0xf4: {  	_ =	swait.ge [sflag:s17], $0x2000  }
0xf5: {  	[sflag:s17] =	ssyncset.done $0x0  }
0xf6: {  	[sflag:s17] =	ssyncadd.s32 $0xFFFFE000  }
0xf7: {  	_ =	swait.ge [sflag:s17], $0x2000  }
0xf8: {  	[sflag:s17] =	ssyncset.done $0x0  }
0xf9: {  	[sflag:s17] =	ssyncadd.s32 $0xFFFFE000  }
0xfa: {  	[hbm4b:s5+s2] =	stream.linear.scatter [tilespmem:s11], [sflag:$0x4], $0x2000, $0x38;
	[tilespmem:$0x8400] =	vst v63  }
0xfb: {  	_ = 	snop  }
0xfc: {  	[hbm4b:s6+s2] =	stream.linear.scatter [tilespmem:s12], [sflag:$0x4], $0x2000, $0x38;
	[tilespmem:$0x8400] =	vst v63  }
0xfd: {  	_ =	swait.ge [sflag:s8], $0x2000  }
0xfe: {  	[sflag:s8] =	ssyncset.done $0x0  }
0xff: {  	[sflag:s8] =	ssyncadd.s32 $0xFFFFE000  }
0x100: {  	_ =	swait.ge [sflag:s8], $0x2000  }
0x101: {  	[sflag:s8] =	ssyncset.done $0x0  }
0x102: {  	[sflag:s8] =	ssyncadd.s32 $0xFFFFE000  }
0x103: {  	_ =	swait.ge [sflag:s10], $0x2000  }
0x104: {  	[sflag:s10] =	ssyncset.done $0x0  }
0x105: {  	[sflag:s10] =	ssyncadd.s32 $0xFFFFE000  }
0x106: {  	_ =	swait.ge [sflag:s10], $0x2000  }
0x107: {  	[sflag:s10] =	ssyncset.done $0x0  }
0x108: {  	[sflag:s10] =	ssyncadd.s32 $0xFFFFE000  }
0x109: {  	_ =	sfence.sel $0x180000  }
0x10a: {  	[bflag:$0x0] =	sbarrier.arrive $0xFFFF  }
0x10b: {  	_ =	strace $0x90000047  }
0x10c: {  	[bflag:$0x2] =	sbarrier.arrive $0xFFFF  }
0x10d: {  	p0 =	sne.s32 s1, $0x0;
	s0 =	rddreg [dreg:$0x4]  }
0x10e: {  	s0 =	sadd.s32 @!p0 $0x100000, s0  }
0x10f: {  	[sflag:s0] =	ssyncadd.tile.s32 @!p0 $0x1;
	_ =	shalt  }
.Lfunc_end2:
_tile_overlayer_lowered:
.L_overlay_start_2:
0x110: {  	(tag) =	ssettag $0x2  }
0x111: {  	s0 =	rddreg [dreg:$0x0];
	s2 =	stileid.u32  }
0x112: {  	s1 =	rddreg [dreg:$0x1];
	p0 =	sne.s32 s2, $0x0  }
0x113: {  	s3 =	rddreg [dreg:$0x2];
	[bflag:$0x3] =	sbarrier.arrive $0xFFFF;
	s2 =	simm.s32 @!p0 $0x1C05  }
0x114: {  	[timem:s3], [sflag:s2] =	dma.local @!p0 [hbm:s0], s1  }
0x115: {  	s0 =	simm.s32 @!p0 $0x5  }
0x116: {  	_ =	swait.ge @!p0 [sflag:s0], s1  }
0x117: {  	s1 =	ssub.s32 @!p0 $0x0, s1;
	[sflag:s0] =	ssyncset.done @!p0 $0x0  }
0x118: {  	[sflag:s0] =	ssyncadd.s32 @!p0 s1  }
0x119: {  	[bflag:$0x3] =	sbarrier.arrive $0xFFFF  }
0x11a: {  	_ =	shalt  }

</sc_bundles>
